<compile_context>
chip_gen: v7x
topology: tpu7x:2x2x1
jax: 0.10.2.dev20260603
libtpu: 0.0.44.dev20260713+nightly
codegen_flags: <defaults>
</compile_context>

<pallas_src>
import functools

import jax
import jax.numpy as jnp
from jax import lax
from jax.experimental import pallas as pl
from jax.experimental.pallas import tpu as pltpu
from jax.experimental.pallas import tpu_sc as plsc

_EMBED = 32
_NC = 2
_NS = 16
_NW = _NC * _NS


@functools.partial(jax.jit, static_argnums=(2, 3))
def _sc_gather(idx_flat, table, total, chunk):
    bpw = total // _NW
    nchunk = bpw // chunk
    mesh = plsc.VectorSubcoreMesh(core_axis_name="c", subcore_axis_name="s")

    @functools.partial(
        pl.kernel,
        mesh=mesh,
        compiler_params=pltpu.CompilerParams(use_tc_tiling_on_sc=False),
        out_type=jax.ShapeDtypeStruct((total, _EMBED), jnp.float32),
        scratch_types=[
            pltpu.VMEM((bpw,), jnp.int32),
            pltpu.VMEM((2, chunk, _EMBED), jnp.float32),
            pltpu.SemaphoreType.DMA,
            pltpu.SemaphoreType.DMA,
            pltpu.SemaphoreType.DMA,
            pltpu.SemaphoreType.DMA,
        ],
    )
    def k(idx_hbm, table_hbm, out_hbm, idx_v, rows_v, g0, g1, w0, w1):
        wid = lax.axis_index("s") * _NC + lax.axis_index("c")
        base = wid * bpw
        gsem = (g0, g1)
        wsem = (w0, w1)

        pltpu.sync_copy(idx_hbm.at[pl.ds(base, bpw)], idx_v)

        gh = [None, None]
        wh = [None, None]

        def start_gather(i, b):
            gh[b] = pltpu.async_copy(
                table_hbm.at[idx_v.at[pl.ds(i * chunk, chunk)]],
                rows_v.at[b], gsem[b])

        start_gather(0, 0)
        if nchunk > 1:
            start_gather(1, 1)
        for i in range(nchunk):
            b = i % 2
            gh[b].wait()
            wh[b] = pltpu.async_copy(
                rows_v.at[b], out_hbm.at[pl.ds(base + i * chunk, chunk)],
                wsem[b])
            if i + 2 < nchunk:
                wh[b].wait()
                start_gather(i + 2, b)
        for b in range(min(2, nchunk)):
            if wh[b] is not None:
                wh[b].wait()

    return k(idx_flat, table)


def kernel(x, weight):
    b, l = x.shape
    total = b * l
    flat = jnp.transpose(x).reshape(total).astype(jnp.int32)
    out = _sc_gather(flat, weight, total, 1280)
    return jnp.transpose(out.reshape(l, b, _EMBED), (1, 0, 2))

# --- scband reference (transcript-rebuilt; emitter-appended) ---
"""Pipeline reference for scband-layer-test-4002909520745 (READ-ONLY COPY).

The authoritative reference and input builder live on the scoring server;
editing this copy changes nothing except your own understanding.
"""

import jax, jax.numpy as jnp
import numpy as np

VOCAB = 1000000
EMBED = 32
B = 16384
L = 50

def setup_inputs(seed: int = 0) -> dict:
    key = jax.random.key(seed)
    k_idx, k_w = jax.random.split(key)
    x = jax.random.randint(k_idx, (B, L), 0, VOCAB, dtype=jnp.int64 if jax.config.jax_enable_x64 else jnp.int32)
    weight = jax.random.normal(k_w, (VOCAB, EMBED), dtype=jnp.float32)
    return {"x": x, "weight": weight}

def reference(x, weight):
    # nn.Embedding forward: gather rows of the table
    return jnp.take(weight, x, axis=0)

if __name__ == "__main__":
    import jax
    _d = setup_inputs()
    print(jax.jit(kernel)(*tuple(_d.values())))

</pallas_src>

<mosaic_0001>
#map = affine_map<(d0, d1) -> (0)>
#map1 = affine_map<(d0, d1) -> (0, 0)>
module attributes {stable_mosaic.version = 14 : i64} {
  func.func @k(%arg0: i32, %arg1: i32, %arg2: memref<819200xi32, #tpu.memory_space<hbm>>, %arg3: memref<1000000x32xf32, #tpu.memory_space<hbm>>, %arg4: memref<819200x32xf32, #tpu.memory_space<hbm>>, %arg5: memref<25600xi32, #tpu.memory_space<vmem>>, %arg6: memref<2x1280x32xf32, #tpu.memory_space<vmem>>, %arg7: memref<!tpu.dma_semaphore, #tpu.memory_space<semaphore_mem>>, %arg8: memref<!tpu.dma_semaphore, #tpu.memory_space<semaphore_mem>>, %arg9: memref<!tpu.dma_semaphore, #tpu.memory_space<semaphore_mem>>, %arg10: memref<!tpu.dma_semaphore, #tpu.memory_space<semaphore_mem>>) attributes {dimension_semantics = [#tpu.dimension_semantics<core_parallel>, #tpu.dimension_semantics<subcore_parallel>], iteration_bounds = array<i64: 2, 16>, scalar_prefetch = 0 : i64, scratch_operands = 6 : i64, tpu.core_type = #tpu.core_type<sc_vector_subcore>, window_params = [{transform_indices = #map}, {transform_indices = #map1}, {transform_indices = #map1}]} {
    %mul3A = arith.constant 2 : i32
    %mul3A_0 = arith.muli %arg1, %mul3A : i32
    %add3A = arith.addi %mul3A_0, %arg0 : i32
    %mul3A_1 = arith.constant 25600 : i32
    %mul3A_2 = arith.muli %add3A, %mul3A_1 : i32
    "tpu.region"() ({
      %run_scoped3A = tpu.sem_alloc : memref<!tpu.dma_semaphore, #tpu.memory_space<semaphore_mem>>
      %dma_start3A_961 = tpu.memref_slice %arg2[%mul3A_2] : memref<819200xi32, #tpu.memory_space<hbm>> -> memref<25600xi32, #tpu.memory_space<hbm>>
      %dma_start3A_962 = tpu.memref_slice %arg2[%mul3A_2] : memref<819200xi32, #tpu.memory_space<hbm>> -> memref<25600xi32, #tpu.memory_space<hbm>>
      tpu.enqueue_dma source(%dma_start3A_962 : memref<25600xi32, #tpu.memory_space<hbm>>) target(%arg5 : memref<25600xi32, #tpu.memory_space<vmem>>) target_semaphore(%run_scoped3A : memref<!tpu.dma_semaphore, #tpu.memory_space<semaphore_mem>>)
      %dma_wait3A_963 = tpu.memref_slice %arg2[%mul3A_2] : memref<819200xi32, #tpu.memory_space<hbm>> -> memref<25600xi32, #tpu.memory_space<hbm>>
      %dma_wait3A_964 = tpu.memref_slice %arg2[%mul3A_2] : memref<819200xi32, #tpu.memory_space<hbm>> -> memref<25600xi32, #tpu.memory_space<hbm>>
      tpu.wait_dma2 semaphore(%run_scoped3A : memref<!tpu.dma_semaphore, #tpu.memory_space<semaphore_mem>>) src(%dma_wait3A_964 : memref<25600xi32, #tpu.memory_space<hbm>>) dst(%arg5 : memref<25600xi32, #tpu.memory_space<vmem>>)
      tpu.yield
    }) : () -> ()
    %dma_start3A = arith.constant 0 : i32
    %dma_start3A_3 = arith.constant 0 : i32
    %dma_start3A_4 = arith.constant 0 : i32
    %dma_start3A_5 = tpu.memref_slice %arg6[%dma_start3A, %dma_start3A_3, %dma_start3A_4] : memref<2x1280x32xf32, #tpu.memory_space<vmem>> -> memref<1x1280x32xf32, #tpu.memory_space<vmem>>
    %dma_start3A_6 = tpu.memref_squeeze %dma_start3A_5 : memref<1x1280x32xf32, #tpu.memory_space<vmem>> -> memref<1280x32xf32, #tpu.memory_space<vmem>>
    %dma_start3A_7 = arith.constant 0 : i32
    %dma_start3A_8 = tpu.memref_slice %arg5[%dma_start3A_7] : memref<25600xi32, #tpu.memory_space<vmem>> -> memref<1280xi32, #tpu.memory_space<vmem>>
    %dma_start3A_9 = arith.constant 0 : i32
    %dma_start3A_10 = arith.constant 0 : i32
    %dma_start3A_11 = tpu.memref_slice %arg3[%dma_start3A_9, %dma_start3A_10] : memref<1000000x32xf32, #tpu.memory_space<hbm>> -> memref<1000000x32xf32, #tpu.memory_space<hbm>>
    tpu.enqueue_indirect_dma source(%dma_start3A_11 : memref<1000000x32xf32, #tpu.memory_space<hbm>>) target(%dma_start3A_6 : memref<1280x32xf32, #tpu.memory_space<vmem>>) offsets(%dma_start3A_8 : memref<1280xi32, #tpu.memory_space<vmem>>) semaphore(%arg7 : memref<!tpu.dma_semaphore, #tpu.memory_space<semaphore_mem>>)
    %dma_start3A_12 = arith.constant 1 : i32
    %dma_start3A_13 = arith.constant 0 : i32
    %dma_start3A_14 = arith.constant 0 : i32
    %dma_start3A_15 = tpu.memref_slice %arg6[%dma_start3A_12, %dma_start3A_13, %dma_start3A_14] : memref<2x1280x32xf32, #tpu.memory_space<vmem>> -> memref<1x1280x32xf32, #tpu.memory_space<vmem>>
    %dma_start3A_16 = tpu.memref_squeeze %dma_start3A_15 : memref<1x1280x32xf32, #tpu.memory_space<vmem>> -> memref<1280x32xf32, #tpu.memory_space<vmem>>
    %dma_start3A_17 = arith.constant 1280 : i32
    %dma_start3A_18 = tpu.memref_slice %arg5[%dma_start3A_17] : memref<25600xi32, #tpu.memory_space<vmem>> -> memref<1280xi32, #tpu.memory_space<vmem>>
    %dma_start3A_19 = arith.constant 0 : i32
    %dma_start3A_20 = arith.constant 0 : i32
    %dma_start3A_21 = tpu.memref_slice %arg3[%dma_start3A_19, %dma_start3A_20] : memref<1000000x32xf32, #tpu.memory_space<hbm>> -> memref<1000000x32xf32, #tpu.memory_space<hbm>>
    tpu.enqueue_indirect_dma source(%dma_start3A_21 : memref<1000000x32xf32, #tpu.memory_space<hbm>>) target(%dma_start3A_16 : memref<1280x32xf32, #tpu.memory_space<vmem>>) offsets(%dma_start3A_18 : memref<1280xi32, #tpu.memory_space<vmem>>) semaphore(%arg8 : memref<!tpu.dma_semaphore, #tpu.memory_space<semaphore_mem>>)
    %dma_wait3A = arith.constant 0 : i32
    %dma_wait3A_22 = arith.constant 0 : i32
    %dma_wait3A_23 = arith.constant 0 : i32
    %dma_wait3A_24 = tpu.memref_slice %arg6[%dma_wait3A, %dma_wait3A_22, %dma_wait3A_23] : memref<2x1280x32xf32, #tpu.memory_space<vmem>> -> memref<1x1280x32xf32, #tpu.memory_space<vmem>>
    %dma_wait3A_25 = tpu.memref_squeeze %dma_wait3A_24 : memref<1x1280x32xf32, #tpu.memory_space<vmem>> -> memref<1280x32xf32, #tpu.memory_space<vmem>>
    %dma_wait3A_26 = arith.constant 0 : i32
    %dma_wait3A_27 = tpu.memref_slice %arg5[%dma_wait3A_26] : memref<25600xi32, #tpu.memory_space<vmem>> -> memref<1280xi32, #tpu.memory_space<vmem>>
    %dma_wait3A_28 = arith.constant 0 : i32
    %dma_wait3A_29 = arith.constant 0 : i32
    %dma_wait3A_30 = tpu.memref_slice %arg3[%dma_wait3A_28, %dma_wait3A_29] : memref<1000000x32xf32, #tpu.memory_space<hbm>> -> memref<1000000x32xf32, #tpu.memory_space<hbm>>
    tpu.wait_indirect_dma semaphore(%arg7 : memref<!tpu.dma_semaphore, #tpu.memory_space<semaphore_mem>>) src(%dma_wait3A_30 : memref<1000000x32xf32, #tpu.memory_space<hbm>>) dst(%dma_wait3A_25 : memref<1280x32xf32, #tpu.memory_space<vmem>>)
    %add3A_31 = arith.constant 0 : i32
    %add3A_32 = arith.addi %mul3A_2, %add3A_31 : i32
    %dma_start3A_33 = arith.constant 0 : i32
    %dma_start3A_34 = arith.constant 0 : i32
    %dma_start3A_35 = arith.constant 0 : i32
    %dma_start3A_36 = tpu.memref_slice %arg6[%dma_start3A_33, %dma_start3A_34, %dma_start3A_35] : memref<2x1280x32xf32, #tpu.memory_space<vmem>> -> memref<1x1280x32xf32, #tpu.memory_space<vmem>>
    %dma_start3A_37 = tpu.memref_squeeze %dma_start3A_36 : memref<1x1280x32xf32, #tpu.memory_space<vmem>> -> memref<1280x32xf32, #tpu.memory_space<vmem>>
    %dma_start3A_38 = arith.constant 0 : i32
    %dma_start3A_39 = tpu.memref_slice %arg4[%add3A_32, %dma_start3A_38] : memref<819200x32xf32, #tpu.memory_space<hbm>> -> memref<1280x32xf32, #tpu.memory_space<hbm>>
    %dma_start3A_40 = arith.constant 0 : i32
    %dma_start3A_41 = tpu.memref_slice %arg4[%add3A_32, %dma_start3A_40] : memref<819200x32xf32, #tpu.memory_space<hbm>> -> memref<1280x32xf32, #tpu.memory_space<hbm>>
    %dma_start3A_42 = arith.constant 0 : i32
    %dma_start3A_43 = arith.constant 0 : i32
    %dma_start3A_44 = tpu.memref_slice %arg6[%dma_start3A_33, %dma_start3A_42, %dma_start3A_43] : memref<2x1280x32xf32, #tpu.memory_space<vmem>> -> memref<1x1280x32xf32, #tpu.memory_space<vmem>>
    %dma_start3A_45 = tpu.memref_squeeze %dma_start3A_44 : memref<1x1280x32xf32, #tpu.memory_space<vmem>> -> memref<1280x32xf32, #tpu.memory_space<vmem>>
    tpu.enqueue_dma source(%dma_start3A_45 : memref<1280x32xf32, #tpu.memory_space<vmem>>) target(%dma_start3A_41 : memref<1280x32xf32, #tpu.memory_space<hbm>>) target_semaphore(%arg9 : memref<!tpu.dma_semaphore, #tpu.memory_space<semaphore_mem>>)
    %dma_wait3A_46 = arith.constant 0 : i32
    %dma_wait3A_47 = arith.constant 0 : i32
    %dma_wait3A_48 = arith.constant 0 : i32
    %dma_wait3A_49 = tpu.memref_slice %arg6[%dma_wait3A_46, %dma_wait3A_47, %dma_wait3A_48] : memref<2x1280x32xf32, #tpu.memory_space<vmem>> -> memref<1x1280x32xf32, #tpu.memory_space<vmem>>
    %dma_wait3A_50 = tpu.memref_squeeze %dma_wait3A_49 : memref<1x1280x32xf32, #tpu.memory_space<vmem>> -> memref<1280x32xf32, #tpu.memory_space<vmem>>
    %dma_wait3A_51 = arith.constant 0 : i32
    %dma_wait3A_52 = tpu.memref_slice %arg4[%add3A_32, %dma_wait3A_51] : memref<819200x32xf32, #tpu.memory_space<hbm>> -> memref<1280x32xf32, #tpu.memory_space<hbm>>
    %dma_wait3A_53 = arith.constant 0 : i32
    %dma_wait3A_54 = tpu.memref_slice %arg4[%add3A_32, %dma_wait3A_53] : memref<819200x32xf32, #tpu.memory_space<hbm>> -> memref<1280x32xf32, #tpu.memory_space<hbm>>
    %dma_wait3A_55 = arith.constant 0 : i32
    %dma_wait3A_56 = arith.constant 0 : i32
    %dma_wait3A_57 = tpu.memref_slice %arg6[%dma_wait3A_46, %dma_wait3A_55, %dma_wait3A_56] : memref<2x1280x32xf32, #tpu.memory_space<vmem>> -> memref<1x1280x32xf32, #tpu.memory_space<vmem>>
    %dma_wait3A_58 = tpu.memref_squeeze %dma_wait3A_57 : memref<1x1280x32xf32, #tpu.memory_space<vmem>> -> memref<1280x32xf32, #tpu.memory_space<vmem>>
    tpu.wait_dma2 semaphore(%arg9 : memref<!tpu.dma_semaphore, #tpu.memory_space<semaphore_mem>>) src(%dma_wait3A_58 : memref<1280x32xf32, #tpu.memory_space<vmem>>) dst(%dma_wait3A_54 : memref<1280x32xf32, #tpu.memory_space<hbm>>)
    %dma_start3A_59 = arith.constant 0 : i32
    %dma_start3A_60 = arith.constant 0 : i32
    %dma_start3A_61 = arith.constant 0 : i32
    %dma_start3A_62 = tpu.memref_slice %arg6[%dma_start3A_59, %dma_start3A_60, %dma_start3A_61] : memref<2x1280x32xf32, #tpu.memory_space<vmem>> -> memref<1x1280x32xf32, #tpu.memory_space<vmem>>
    %dma_start3A_63 = tpu.memref_squeeze %dma_start3A_62 : memref<1x1280x32xf32, #tpu.memory_space<vmem>> -> memref<1280x32xf32, #tpu.memory_space<vmem>>
    %dma_start3A_64 = arith.constant 2560 : i32
    %dma_start3A_65 = tpu.memref_slice %arg5[%dma_start3A_64] : memref<25600xi32, #tpu.memory_space<vmem>> -> memref<1280xi32, #tpu.memory_space<vmem>>
    %dma_start3A_66 = arith.constant 0 : i32
    %dma_start3A_67 = arith.constant 0 : i32
    %dma_start3A_68 = tpu.memref_slice %arg3[%dma_start3A_66, %dma_start3A_67] : memref<1000000x32xf32, #tpu.memory_space<hbm>> -> memref<1000000x32xf32, #tpu.memory_space<hbm>>
    tpu.enqueue_indirect_dma source(%dma_start3A_68 : memref<1000000x32xf32, #tpu.memory_space<hbm>>) target(%dma_start3A_63 : memref<1280x32xf32, #tpu.memory_space<vmem>>) offsets(%dma_start3A_65 : memref<1280xi32, #tpu.memory_space<vmem>>) semaphore(%arg7 : memref<!tpu.dma_semaphore, #tpu.memory_space<semaphore_mem>>)
    %dma_wait3A_69 = arith.constant 1 : i32
    %dma_wait3A_70 = arith.constant 0 : i32
    %dma_wait3A_71 = arith.constant 0 : i32
    %dma_wait3A_72 = tpu.memref_slice %arg6[%dma_wait3A_69, %dma_wait3A_70, %dma_wait3A_71] : memref<2x1280x32xf32, #tpu.memory_space<vmem>> -> memref<1x1280x32xf32, #tpu.memory_space<vmem>>
    %dma_wait3A_73 = tpu.memref_squeeze %dma_wait3A_72 : memref<1x1280x32xf32, #tpu.memory_space<vmem>> -> memref<1280x32xf32, #tpu.memory_space<vmem>>
    %dma_wait3A_74 = arith.constant 1280 : i32
    %dma_wait3A_75 = tpu.memref_slice %arg5[%dma_wait3A_74] : memref<25600xi32, #tpu.memory_space<vmem>> -> memref<1280xi32, #tpu.memory_space<vmem>>
    %dma_wait3A_76 = arith.constant 0 : i32
    %dma_wait3A_77 = arith.constant 0 : i32
    %dma_wait3A_78 = tpu.memref_slice %arg3[%dma_wait3A_76, %dma_wait3A_77] : memref<1000000x32xf32, #tpu.memory_space<hbm>> -> memref<1000000x32xf32, #tpu.memory_space<hbm>>
    tpu.wait_indirect_dma semaphore(%arg8 : memref<!tpu.dma_semaphore, #tpu.memory_space<semaphore_mem>>) src(%dma_wait3A_78 : memref<1000000x32xf32, #tpu.memory_space<hbm>>) dst(%dma_wait3A_73 : memref<1280x32xf32, #tpu.memory_space<vmem>>)
    %add3A_79 = arith.constant 1280 : i32
    %add3A_80 = arith.addi %mul3A_2, %add3A_79 : i32
    %dma_start3A_81 = arith.constant 1 : i32
    %dma_start3A_82 = arith.constant 0 : i32
    %dma_start3A_83 = arith.constant 0 : i32
    %dma_start3A_84 = tpu.memref_slice %arg6[%dma_start3A_81, %dma_start3A_82, %dma_start3A_83] : memref<2x1280x32xf32, #tpu.memory_space<vmem>> -> memref<1x1280x32xf32, #tpu.memory_space<vmem>>
    %dma_start3A_85 = tpu.memref_squeeze %dma_start3A_84 : memref<1x1280x32xf32, #tpu.memory_space<vmem>> -> memref<1280x32xf32, #tpu.memory_space<vmem>>
    %dma_start3A_86 = arith.constant 0 : i32
    %dma_start3A_87 = tpu.memref_slice %arg4[%add3A_80, %dma_start3A_86] : memref<819200x32xf32, #tpu.memory_space<hbm>> -> memref<1280x32xf32, #tpu.memory_space<hbm>>
    %dma_start3A_88 = arith.constant 0 : i32
    %dma_start3A_89 = tpu.memref_slice %arg4[%add3A_80, %dma_start3A_88] : memref<819200x32xf32, #tpu.memory_space<hbm>> -> memref<1280x32xf32, #tpu.memory_space<hbm>>
    %dma_start3A_90 = arith.constant 0 : i32
    %dma_start3A_91 = arith.constant 0 : i32
    %dma_start3A_92 = tpu.memref_slice %arg6[%dma_start3A_81, %dma_start3A_90, %dma_start3A_91] : memref<2x1280x32xf32, #tpu.memory_space<vmem>> -> memref<1x1280x32xf32, #tpu.memory_space<vmem>>
    %dma_start3A_93 = tpu.memref_squeeze %dma_start3A_92 : memref<1x1280x32xf32, #tpu.memory_space<vmem>> -> memref<1280x32xf32, #tpu.memory_space<vmem>>
    tpu.enqueue_dma source(%dma_start3A_93 : memref<1280x32xf32, #tpu.memory_space<vmem>>) target(%dma_start3A_89 : memref<1280x32xf32, #tpu.memory_space<hbm>>) target_semaphore(%arg10 : memref<!tpu.dma_semaphore, #tpu.memory_space<semaphore_mem>>)
    %dma_wait3A_94 = arith.constant 1 : i32
    %dma_wait3A_95 = arith.constant 0 : i32
    %dma_wait3A_96 = arith.constant 0 : i32
    %dma_wait3A_97 = tpu.memref_slice %arg6[%dma_wait3A_94, %dma_wait3A_95, %dma_wait3A_96] : memref<2x1280x32xf32, #tpu.memory_space<vmem>> -> memref<1x1280x32xf32, #tpu.memory_space<vmem>>
    %dma_wait3A_98 = tpu.memref_squeeze %dma_wait3A_97 : memref<1x1280x32xf32, #tpu.memory_space<vmem>> -> memref<1280x32xf32, #tpu.memory_space<vmem>>
    %dma_wait3A_99 = arith.constant 0 : i32
    %dma_wait3A_100 = tpu.memref_slice %arg4[%add3A_80, %dma_wait3A_99] : memref<819200x32xf32, #tpu.memory_space<hbm>> -> memref<1280x32xf32, #tpu.memory_space<hbm>>
    %dma_wait3A_101 = arith.constant 0 : i32
    %dma_wait3A_102 = tpu.memref_slice %arg4[%add3A_80, %dma_wait3A_101] : memref<819200x32xf32, #tpu.memory_space<hbm>> -> memref<1280x32xf32, #tpu.memory_space<hbm>>
    %dma_wait3A_103 = arith.constant 0 : i32
    %dma_wait3A_104 = arith.constant 0 : i32
    %dma_wait3A_105 = tpu.memref_slice %arg6[%dma_wait3A_94, %dma_wait3A_103, %dma_wait3A_104] : memref<2x1280x32xf32, #tpu.memory_space<vmem>> -> memref<1x1280x32xf32, #tpu.memory_space<vmem>>
    %dma_wait3A_106 = tpu.memref_squeeze %dma_wait3A_105 : memref<1x1280x32xf32, #tpu.memory_space<vmem>> -> memref<1280x32xf32, #tpu.memory_space<vmem>>
    tpu.wait_dma2 semaphore(%arg10 : memref<!tpu.dma_semaphore, #tpu.memory_space<semaphore_mem>>) src(%dma_wait3A_106 : memref<1280x32xf32, #tpu.memory_space<vmem>>) dst(%dma_wait3A_102 : memref<1280x32xf32, #tpu.memory_space<hbm>>)
    %dma_start3A_107 = arith.constant 1 : i32
    %dma_start3A_108 = arith.constant 0 : i32
    %dma_start3A_109 = arith.constant 0 : i32
    %dma_start3A_110 = tpu.memref_slice %arg6[%dma_start3A_107, %dma_start3A_108, %dma_start3A_109] : memref<2x1280x32xf32, #tpu.memory_space<vmem>> -> memref<1x1280x32xf32, #tpu.memory_space<vmem>>
    %dma_start3A_111 = tpu.memref_squeeze %dma_start3A_110 : memref<1x1280x32xf32, #tpu.memory_space<vmem>> -> memref<1280x32xf32, #tpu.memory_space<vmem>>
    %dma_start3A_112 = arith.constant 3840 : i32
    %dma_start3A_113 = tpu.memref_slice %arg5[%dma_start3A_112] : memref<25600xi32, #tpu.memory_space<vmem>> -> memref<1280xi32, #tpu.memory_space<vmem>>
    %dma_start3A_114 = arith.constant 0 : i32
    %dma_start3A_115 = arith.constant 0 : i32
    %dma_start3A_116 = tpu.memref_slice %arg3[%dma_start3A_114, %dma_start3A_115] : memref<1000000x32xf32, #tpu.memory_space<hbm>> -> memref<1000000x32xf32, #tpu.memory_space<hbm>>
    tpu.enqueue_indirect_dma source(%dma_start3A_116 : memref<1000000x32xf32, #tpu.memory_space<hbm>>) target(%dma_start3A_111 : memref<1280x32xf32, #tpu.memory_space<vmem>>) offsets(%dma_start3A_113 : memref<1280xi32, #tpu.memory_space<vmem>>) semaphore(%arg8 : memref<!tpu.dma_semaphore, #tpu.memory_space<semaphore_mem>>)
    %dma_wait3A_117 = arith.constant 0 : i32
    %dma_wait3A_118 = arith.constant 0 : i32
    %dma_wait3A_119 = arith.constant 0 : i32
    %dma_wait3A_120 = tpu.memref_slice %arg6[%dma_wait3A_117, %dma_wait3A_118, %dma_wait3A_119] : memref<2x1280x32xf32, #tpu.memory_space<vmem>> -> memref<1x1280x32xf32, #tpu.memory_space<vmem>>
    %dma_wait3A_121 = tpu.memref_squeeze %dma_wait3A_120 : memref<1x1280x32xf32, #tpu.memory_space<vmem>> -> memref<1280x32xf32, #tpu.memory_space<vmem>>
    %dma_wait3A_122 = arith.constant 2560 : i32
    %dma_wait3A_123 = tpu.memref_slice %arg5[%dma_wait3A_122] : memref<25600xi32, #tpu.memory_space<vmem>> -> memref<1280xi32, #tpu.memory_space<vmem>>
    %dma_wait3A_124 = arith.constant 0 : i32
    %dma_wait3A_125 = arith.constant 0 : i32
    %dma_wait3A_126 = tpu.memref_slice %arg3[%dma_wait3A_124, %dma_wait3A_125] : memref<1000000x32xf32, #tpu.memory_space<hbm>> -> memref<1000000x32xf32, #tpu.memory_space<hbm>>
    tpu.wait_indirect_dma semaphore(%arg7 : memref<!tpu.dma_semaphore, #tpu.memory_space<semaphore_mem>>) src(%dma_wait3A_126 : memref<1000000x32xf32, #tpu.memory_space<hbm>>) dst(%dma_wait3A_121 : memref<1280x32xf32, #tpu.memory_space<vmem>>)
    %add3A_127 = arith.constant 2560 : i32
    %add3A_128 = arith.addi %mul3A_2, %add3A_127 : i32
    %dma_start3A_129 = arith.constant 0 : i32
    %dma_start3A_130 = arith.constant 0 : i32
    %dma_start3A_131 = arith.constant 0 : i32
    %dma_start3A_132 = tpu.memref_slice %arg6[%dma_start3A_129, %dma_start3A_130, %dma_start3A_131] : memref<2x1280x32xf32, #tpu.memory_space<vmem>> -> memref<1x1280x32xf32, #tpu.memory_space<vmem>>
    %dma_start3A_133 = tpu.memref_squeeze %dma_start3A_132 : memref<1x1280x32xf32, #tpu.memory_space<vmem>> -> memref<1280x32xf32, #tpu.memory_space<vmem>>
    %dma_start3A_134 = arith.constant 0 : i32
    %dma_start3A_135 = tpu.memref_slice %arg4[%add3A_128, %dma_start3A_134] : memref<819200x32xf32, #tpu.memory_space<hbm>> -> memref<1280x32xf32, #tpu.memory_space<hbm>>
    %dma_start3A_136 = arith.constant 0 : i32
    %dma_start3A_137 = tpu.memref_slice %arg4[%add3A_128, %dma_start3A_136] : memref<819200x32xf32, #tpu.memory_space<hbm>> -> memref<1280x32xf32, #tpu.memory_space<hbm>>
    %dma_start3A_138 = arith.constant 0 : i32
    %dma_start3A_139 = arith.constant 0 : i32
    %dma_start3A_140 = tpu.memref_slice %arg6[%dma_start3A_129, %dma_start3A_138, %dma_start3A_139] : memref<2x1280x32xf32, #tpu.memory_space<vmem>> -> memref<1x1280x32xf32, #tpu.memory_space<vmem>>
    %dma_start3A_141 = tpu.memref_squeeze %dma_start3A_140 : memref<1x1280x32xf32, #tpu.memory_space<vmem>> -> memref<1280x32xf32, #tpu.memory_space<vmem>>
    tpu.enqueue_dma source(%dma_start3A_141 : memref<1280x32xf32, #tpu.memory_space<vmem>>) target(%dma_start3A_137 : memref<1280x32xf32, #tpu.memory_space<hbm>>) target_semaphore(%arg9 : memref<!tpu.dma_semaphore, #tpu.memory_space<semaphore_mem>>)
    %dma_wait3A_142 = arith.constant 0 : i32
    %dma_wait3A_143 = arith.constant 0 : i32
    %dma_wait3A_144 = arith.constant 0 : i32
    %dma_wait3A_145 = tpu.memref_slice %arg6[%dma_wait3A_142, %dma_wait3A_143, %dma_wait3A_144] : memref<2x1280x32xf32, #tpu.memory_space<vmem>> -> memref<1x1280x32xf32, #tpu.memory_space<vmem>>
    %dma_wait3A_146 = tpu.memref_squeeze %dma_wait3A_145 : memref<1x1280x32xf32, #tpu.memory_space<vmem>> -> memref<1280x32xf32, #tpu.memory_space<vmem>>
    %dma_wait3A_147 = arith.constant 0 : i32
    %dma_wait3A_148 = tpu.memref_slice %arg4[%add3A_128, %dma_wait3A_147] : memref<819200x32xf32, #tpu.memory_space<hbm>> -> memref<1280x32xf32, #tpu.memory_space<hbm>>
    %dma_wait3A_149 = arith.constant 0 : i32
    %dma_wait3A_150 = tpu.memref_slice %arg4[%add3A_128, %dma_wait3A_149] : memref<819200x32xf32, #tpu.memory_space<hbm>> -> memref<1280x32xf32, #tpu.memory_space<hbm>>
    %dma_wait3A_151 = arith.constant 0 : i32
    %dma_wait3A_152 = arith.constant 0 : i32
    %dma_wait3A_153 = tpu.memref_slice %arg6[%dma_wait3A_142, %dma_wait3A_151, %dma_wait3A_152] : memref<2x1280x32xf32, #tpu.memory_space<vmem>> -> memref<1x1280x32xf32, #tpu.memory_space<vmem>>
    %dma_wait3A_154 = tpu.memref_squeeze %dma_wait3A_153 : memref<1x1280x32xf32, #tpu.memory_space<vmem>> -> memref<1280x32xf32, #tpu.memory_space<vmem>>
    tpu.wait_dma2 semaphore(%arg9 : memref<!tpu.dma_semaphore, #tpu.memory_space<semaphore_mem>>) src(%dma_wait3A_154 : memref<1280x32xf32, #tpu.memory_space<vmem>>) dst(%dma_wait3A_150 : memref<1280x32xf32, #tpu.memory_space<hbm>>)
    %dma_start3A_155 = arith.constant 0 : i32
    %dma_start3A_156 = arith.constant 0 : i32
    %dma_start3A_157 = arith.constant 0 : i32
    %dma_start3A_158 = tpu.memref_slice %arg6[%dma_start3A_155, %dma_start3A_156, %dma_start3A_157] : memref<2x1280x32xf32, #tpu.memory_space<vmem>> -> memref<1x1280x32xf32, #tpu.memory_space<vmem>>
    %dma_start3A_159 = tpu.memref_squeeze %dma_start3A_158 : memref<1x1280x32xf32, #tpu.memory_space<vmem>> -> memref<1280x32xf32, #tpu.memory_space<vmem>>
    %dma_start3A_160 = arith.constant 5120 : i32
    %dma_start3A_161 = tpu.memref_slice %arg5[%dma_start3A_160] : memref<25600xi32, #tpu.memory_space<vmem>> -> memref<1280xi32, #tpu.memory_space<vmem>>
    %dma_start3A_162 = arith.constant 0 : i32
    %dma_start3A_163 = arith.constant 0 : i32
    %dma_start3A_164 = tpu.memref_slice %arg3[%dma_start3A_162, %dma_start3A_163] : memref<1000000x32xf32, #tpu.memory_space<hbm>> -> memref<1000000x32xf32, #tpu.memory_space<hbm>>
    tpu.enqueue_indirect_dma source(%dma_start3A_164 : memref<1000000x32xf32, #tpu.memory_space<hbm>>) target(%dma_start3A_159 : memref<1280x32xf32, #tpu.memory_space<vmem>>) offsets(%dma_start3A_161 : memref<1280xi32, #tpu.memory_space<vmem>>) semaphore(%arg7 : memref<!tpu.dma_semaphore, #tpu.memory_space<semaphore_mem>>)
    %dma_wait3A_165 = arith.constant 1 : i32
    %dma_wait3A_166 = arith.constant 0 : i32
    %dma_wait3A_167 = arith.constant 0 : i32
    %dma_wait3A_168 = tpu.memref_slice %arg6[%dma_wait3A_165, %dma_wait3A_166, %dma_wait3A_167] : memref<2x1280x32xf32, #tpu.memory_space<vmem>> -> memref<1x1280x32xf32, #tpu.memory_space<vmem>>
    %dma_wait3A_169 = tpu.memref_squeeze %dma_wait3A_168 : memref<1x1280x32xf32, #tpu.memory_space<vmem>> -> memref<1280x32xf32, #tpu.memory_space<vmem>>
    %dma_wait3A_170 = arith.constant 3840 : i32
    %dma_wait3A_171 = tpu.memref_slice %arg5[%dma_wait3A_170] : memref<25600xi32, #tpu.memory_space<vmem>> -> memref<1280xi32, #tpu.memory_space<vmem>>
    %dma_wait3A_172 = arith.constant 0 : i32
    %dma_wait3A_173 = arith.constant 0 : i32
    %dma_wait3A_174 = tpu.memref_slice %arg3[%dma_wait3A_172, %dma_wait3A_173] : memref<1000000x32xf32, #tpu.memory_space<hbm>> -> memref<1000000x32xf32, #tpu.memory_space<hbm>>
    tpu.wait_indirect_dma semaphore(%arg8 : memref<!tpu.dma_semaphore, #tpu.memory_space<semaphore_mem>>) src(%dma_wait3A_174 : memref<1000000x32xf32, #tpu.memory_space<hbm>>) dst(%dma_wait3A_169 : memref<1280x32xf32, #tpu.memory_space<vmem>>)
    %add3A_175 = arith.constant 3840 : i32
    %add3A_176 = arith.addi %mul3A_2, %add3A_175 : i32
    %dma_start3A_177 = arith.constant 1 : i32
    %dma_start3A_178 = arith.constant 0 : i32
    %dma_start3A_179 = arith.constant 0 : i32
    %dma_start3A_180 = tpu.memref_slice %arg6[%dma_start3A_177, %dma_start3A_178, %dma_start3A_179] : memref<2x1280x32xf32, #tpu.memory_space<vmem>> -> memref<1x1280x32xf32, #tpu.memory_space<vmem>>
    %dma_start3A_181 = tpu.memref_squeeze %dma_start3A_180 : memref<1x1280x32xf32, #tpu.memory_space<vmem>> -> memref<1280x32xf32, #tpu.memory_space<vmem>>
    %dma_start3A_182 = arith.constant 0 : i32
    %dma_start3A_183 = tpu.memref_slice %arg4[%add3A_176, %dma_start3A_182] : memref<819200x32xf32, #tpu.memory_space<hbm>> -> memref<1280x32xf32, #tpu.memory_space<hbm>>
    %dma_start3A_184 = arith.constant 0 : i32
    %dma_start3A_185 = tpu.memref_slice %arg4[%add3A_176, %dma_start3A_184] : memref<819200x32xf32, #tpu.memory_space<hbm>> -> memref<1280x32xf32, #tpu.memory_space<hbm>>
    %dma_start3A_186 = arith.constant 0 : i32
    %dma_start3A_187 = arith.constant 0 : i32
    %dma_start3A_188 = tpu.memref_slice %arg6[%dma_start3A_177, %dma_start3A_186, %dma_start3A_187] : memref<2x1280x32xf32, #tpu.memory_space<vmem>> -> memref<1x1280x32xf32, #tpu.memory_space<vmem>>
    %dma_start3A_189 = tpu.memref_squeeze %dma_start3A_188 : memref<1x1280x32xf32, #tpu.memory_space<vmem>> -> memref<1280x32xf32, #tpu.memory_space<vmem>>
    tpu.enqueue_dma source(%dma_start3A_189 : memref<1280x32xf32, #tpu.memory_space<vmem>>) target(%dma_start3A_185 : memref<1280x32xf32, #tpu.memory_space<hbm>>) target_semaphore(%arg10 : memref<!tpu.dma_semaphore, #tpu.memory_space<semaphore_mem>>)
    %dma_wait3A_190 = arith.constant 1 : i32
    %dma_wait3A_191 = arith.constant 0 : i32
    %dma_wait3A_192 = arith.constant 0 : i32
    %dma_wait3A_193 = tpu.memref_slice %arg6[%dma_wait3A_190, %dma_wait3A_191, %dma_wait3A_192] : memref<2x1280x32xf32, #tpu.memory_space<vmem>> -> memref<1x1280x32xf32, #tpu.memory_space<vmem>>
    %dma_wait3A_194 = tpu.memref_squeeze %dma_wait3A_193 : memref<1x1280x32xf32, #tpu.memory_space<vmem>> -> memref<1280x32xf32, #tpu.memory_space<vmem>>
    %dma_wait3A_195 = arith.constant 0 : i32
    %dma_wait3A_196 = tpu.memref_slice %arg4[%add3A_176, %dma_wait3A_195] : memref<819200x32xf32, #tpu.memory_space<hbm>> -> memref<1280x32xf32, #tpu.memory_space<hbm>>
    %dma_wait3A_197 = arith.constant 0 : i32
    %dma_wait3A_198 = tpu.memref_slice %arg4[%add3A_176, %dma_wait3A_197] : memref<819200x32xf32, #tpu.memory_space<hbm>> -> memref<1280x32xf32, #tpu.memory_space<hbm>>
    %dma_wait3A_199 = arith.constant 0 : i32
    %dma_wait3A_200 = arith.constant 0 : i32
    %dma_wait3A_201 = tpu.memref_slice %arg6[%dma_wait3A_190, %dma_wait3A_199, %dma_wait3A_200] : memref<2x1280x32xf32, #tpu.memory_space<vmem>> -> memref<1x1280x32xf32, #tpu.memory_space<vmem>>
    %dma_wait3A_202 = tpu.memref_squeeze %dma_wait3A_201 : memref<1x1280x32xf32, #tpu.memory_space<vmem>> -> memref<1280x32xf32, #tpu.memory_space<vmem>>
    tpu.wait_dma2 semaphore(%arg10 : memref<!tpu.dma_semaphore, #tpu.memory_space<semaphore_mem>>) src(%dma_wait3A_202 : memref<1280x32xf32, #tpu.memory_space<vmem>>) dst(%dma_wait3A_198 : memref<1280x32xf32, #tpu.memory_space<hbm>>)
    %dma_start3A_203 = arith.constant 1 : i32
    %dma_start3A_204 = arith.constant 0 : i32
    %dma_start3A_205 = arith.constant 0 : i32
    %dma_start3A_206 = tpu.memref_slice %arg6[%dma_start3A_203, %dma_start3A_204, %dma_start3A_205] : memref<2x1280x32xf32, #tpu.memory_space<vmem>> -> memref<1x1280x32xf32, #tpu.memory_space<vmem>>
    %dma_start3A_207 = tpu.memref_squeeze %dma_start3A_206 : memref<1x1280x32xf32, #tpu.memory_space<vmem>> -> memref<1280x32xf32, #tpu.memory_space<vmem>>
    %dma_start3A_208 = arith.constant 6400 : i32
    %dma_start3A_209 = tpu.memref_slice %arg5[%dma_start3A_208] : memref<25600xi32, #tpu.memory_space<vmem>> -> memref<1280xi32, #tpu.memory_space<vmem>>
    %dma_start3A_210 = arith.constant 0 : i32
    %dma_start3A_211 = arith.constant 0 : i32
    %dma_start3A_212 = tpu.memref_slice %arg3[%dma_start3A_210, %dma_start3A_211] : memref<1000000x32xf32, #tpu.memory_space<hbm>> -> memref<1000000x32xf32, #tpu.memory_space<hbm>>
    tpu.enqueue_indirect_dma source(%dma_start3A_212 : memref<1000000x32xf32, #tpu.memory_space<hbm>>) target(%dma_start3A_207 : memref<1280x32xf32, #tpu.memory_space<vmem>>) offsets(%dma_start3A_209 : memref<1280xi32, #tpu.memory_space<vmem>>) semaphore(%arg8 : memref<!tpu.dma_semaphore, #tpu.memory_space<semaphore_mem>>)
    %dma_wait3A_213 = arith.constant 0 : i32
    %dma_wait3A_214 = arith.constant 0 : i32
    %dma_wait3A_215 = arith.constant 0 : i32
    %dma_wait3A_216 = tpu.memref_slice %arg6[%dma_wait3A_213, %dma_wait3A_214, %dma_wait3A_215] : memref<2x1280x32xf32, #tpu.memory_space<vmem>> -> memref<1x1280x32xf32, #tpu.memory_space<vmem>>
    %dma_wait3A_217 = tpu.memref_squeeze %dma_wait3A_216 : memref<1x1280x32xf32, #tpu.memory_space<vmem>> -> memref<1280x32xf32, #tpu.memory_space<vmem>>
    %dma_wait3A_218 = arith.constant 5120 : i32
    %dma_wait3A_219 = tpu.memref_slice %arg5[%dma_wait3A_218] : memref<25600xi32, #tpu.memory_space<vmem>> -> memref<1280xi32, #tpu.memory_space<vmem>>
    %dma_wait3A_220 = arith.constant 0 : i32
    %dma_wait3A_221 = arith.constant 0 : i32
    %dma_wait3A_222 = tpu.memref_slice %arg3[%dma_wait3A_220, %dma_wait3A_221] : memref<1000000x32xf32, #tpu.memory_space<hbm>> -> memref<1000000x32xf32, #tpu.memory_space<hbm>>
    tpu.wait_indirect_dma semaphore(%arg7 : memref<!tpu.dma_semaphore, #tpu.memory_space<semaphore_mem>>) src(%dma_wait3A_222 : memref<1000000x32xf32, #tpu.memory_space<hbm>>) dst(%dma_wait3A_217 : memref<1280x32xf32, #tpu.memory_space<vmem>>)
    %add3A_223 = arith.constant 5120 : i32
    %add3A_224 = arith.addi %mul3A_2, %add3A_223 : i32
    %dma_start3A_225 = arith.constant 0 : i32
    %dma_start3A_226 = arith.constant 0 : i32
    %dma_start3A_227 = arith.constant 0 : i32
    %dma_start3A_228 = tpu.memref_slice %arg6[%dma_start3A_225, %dma_start3A_226, %dma_start3A_227] : memref<2x1280x32xf32, #tpu.memory_space<vmem>> -> memref<1x1280x32xf32, #tpu.memory_space<vmem>>
    %dma_start3A_229 = tpu.memref_squeeze %dma_start3A_228 : memref<1x1280x32xf32, #tpu.memory_space<vmem>> -> memref<1280x32xf32, #tpu.memory_space<vmem>>
    %dma_start3A_230 = arith.constant 0 : i32
    %dma_start3A_231 = tpu.memref_slice %arg4[%add3A_224, %dma_start3A_230] : memref<819200x32xf32, #tpu.memory_space<hbm>> -> memref<1280x32xf32, #tpu.memory_space<hbm>>
    %dma_start3A_232 = arith.constant 0 : i32
    %dma_start3A_233 = tpu.memref_slice %arg4[%add3A_224, %dma_start3A_232] : memref<819200x32xf32, #tpu.memory_space<hbm>> -> memref<1280x32xf32, #tpu.memory_space<hbm>>
    %dma_start3A_234 = arith.constant 0 : i32
    %dma_start3A_235 = arith.constant 0 : i32
    %dma_start3A_236 = tpu.memref_slice %arg6[%dma_start3A_225, %dma_start3A_234, %dma_start3A_235] : memref<2x1280x32xf32, #tpu.memory_space<vmem>> -> memref<1x1280x32xf32, #tpu.memory_space<vmem>>
    %dma_start3A_237 = tpu.memref_squeeze %dma_start3A_236 : memref<1x1280x32xf32, #tpu.memory_space<vmem>> -> memref<1280x32xf32, #tpu.memory_space<vmem>>
    tpu.enqueue_dma source(%dma_start3A_237 : memref<1280x32xf32, #tpu.memory_space<vmem>>) target(%dma_start3A_233 : memref<1280x32xf32, #tpu.memory_space<hbm>>) target_semaphore(%arg9 : memref<!tpu.dma_semaphore, #tpu.memory_space<semaphore_mem>>)
    %dma_wait3A_238 = arith.constant 0 : i32
    %dma_wait3A_239 = arith.constant 0 : i32
    %dma_wait3A_240 = arith.constant 0 : i32
    %dma_wait3A_241 = tpu.memref_slice %arg6[%dma_wait3A_238, %dma_wait3A_239, %dma_wait3A_240] : memref<2x1280x32xf32, #tpu.memory_space<vmem>> -> memref<1x1280x32xf32, #tpu.memory_space<vmem>>
    %dma_wait3A_242 = tpu.memref_squeeze %dma_wait3A_241 : memref<1x1280x32xf32, #tpu.memory_space<vmem>> -> memref<1280x32xf32, #tpu.memory_space<vmem>>
    %dma_wait3A_243 = arith.constant 0 : i32
    %dma_wait3A_244 = tpu.memref_slice %arg4[%add3A_224, %dma_wait3A_243] : memref<819200x32xf32, #tpu.memory_space<hbm>> -> memref<1280x32xf32, #tpu.memory_space<hbm>>
    %dma_wait3A_245 = arith.constant 0 : i32
    %dma_wait3A_246 = tpu.memref_slice %arg4[%add3A_224, %dma_wait3A_245] : memref<819200x32xf32, #tpu.memory_space<hbm>> -> memref<1280x32xf32, #tpu.memory_space<hbm>>
    %dma_wait3A_247 = arith.constant 0 : i32
    %dma_wait3A_248 = arith.constant 0 : i32
    %dma_wait3A_249 = tpu.memref_slice %arg6[%dma_wait3A_238, %dma_wait3A_247, %dma_wait3A_248] : memref<2x1280x32xf32, #tpu.memory_space<vmem>> -> memref<1x1280x32xf32, #tpu.memory_space<vmem>>
    %dma_wait3A_250 = tpu.memref_squeeze %dma_wait3A_249 : memref<1x1280x32xf32, #tpu.memory_space<vmem>> -> memref<1280x32xf32, #tpu.memory_space<vmem>>
    tpu.wait_dma2 semaphore(%arg9 : memref<!tpu.dma_semaphore, #tpu.memory_space<semaphore_mem>>) src(%dma_wait3A_250 : memref<1280x32xf32, #tpu.memory_space<vmem>>) dst(%dma_wait3A_246 : memref<1280x32xf32, #tpu.memory_space<hbm>>)
    %dma_start3A_251 = arith.constant 0 : i32
    %dma_start3A_252 = arith.constant 0 : i32
    %dma_start3A_253 = arith.constant 0 : i32
    %dma_start3A_254 = tpu.memref_slice %arg6[%dma_start3A_251, %dma_start3A_252, %dma_start3A_253] : memref<2x1280x32xf32, #tpu.memory_space<vmem>> -> memref<1x1280x32xf32, #tpu.memory_space<vmem>>
    %dma_start3A_255 = tpu.memref_squeeze %dma_start3A_254 : memref<1x1280x32xf32, #tpu.memory_space<vmem>> -> memref<1280x32xf32, #tpu.memory_space<vmem>>
    %dma_start3A_256 = arith.constant 7680 : i32
    %dma_start3A_257 = tpu.memref_slice %arg5[%dma_start3A_256] : memref<25600xi32, #tpu.memory_space<vmem>> -> memref<1280xi32, #tpu.memory_space<vmem>>
    %dma_start3A_258 = arith.constant 0 : i32
    %dma_start3A_259 = arith.constant 0 : i32
    %dma_start3A_260 = tpu.memref_slice %arg3[%dma_start3A_258, %dma_start3A_259] : memref<1000000x32xf32, #tpu.memory_space<hbm>> -> memref<1000000x32xf32, #tpu.memory_space<hbm>>
    tpu.enqueue_indirect_dma source(%dma_start3A_260 : memref<1000000x32xf32, #tpu.memory_space<hbm>>) target(%dma_start3A_255 : memref<1280x32xf32, #tpu.memory_space<vmem>>) offsets(%dma_start3A_257 : memref<1280xi32, #tpu.memory_space<vmem>>) semaphore(%arg7 : memref<!tpu.dma_semaphore, #tpu.memory_space<semaphore_mem>>)
    %dma_wait3A_261 = arith.constant 1 : i32
    %dma_wait3A_262 = arith.constant 0 : i32
    %dma_wait3A_263 = arith.constant 0 : i32
    %dma_wait3A_264 = tpu.memref_slice %arg6[%dma_wait3A_261, %dma_wait3A_262, %dma_wait3A_263] : memref<2x1280x32xf32, #tpu.memory_space<vmem>> -> memref<1x1280x32xf32, #tpu.memory_space<vmem>>
    %dma_wait3A_265 = tpu.memref_squeeze %dma_wait3A_264 : memref<1x1280x32xf32, #tpu.memory_space<vmem>> -> memref<1280x32xf32, #tpu.memory_space<vmem>>
    %dma_wait3A_266 = arith.constant 6400 : i32
    %dma_wait3A_267 = tpu.memref_slice %arg5[%dma_wait3A_266] : memref<25600xi32, #tpu.memory_space<vmem>> -> memref<1280xi32, #tpu.memory_space<vmem>>
    %dma_wait3A_268 = arith.constant 0 : i32
    %dma_wait3A_269 = arith.constant 0 : i32
    %dma_wait3A_270 = tpu.memref_slice %arg3[%dma_wait3A_268, %dma_wait3A_269] : memref<1000000x32xf32, #tpu.memory_space<hbm>> -> memref<1000000x32xf32, #tpu.memory_space<hbm>>
    tpu.wait_indirect_dma semaphore(%arg8 : memref<!tpu.dma_semaphore, #tpu.memory_space<semaphore_mem>>) src(%dma_wait3A_270 : memref<1000000x32xf32, #tpu.memory_space<hbm>>) dst(%dma_wait3A_265 : memref<1280x32xf32, #tpu.memory_space<vmem>>)
    %add3A_271 = arith.constant 6400 : i32
    %add3A_272 = arith.addi %mul3A_2, %add3A_271 : i32
    %dma_start3A_273 = arith.constant 1 : i32
    %dma_start3A_274 = arith.constant 0 : i32
    %dma_start3A_275 = arith.constant 0 : i32
    %dma_start3A_276 = tpu.memref_slice %arg6[%dma_start3A_273, %dma_start3A_274, %dma_start3A_275] : memref<2x1280x32xf32, #tpu.memory_space<vmem>> -> memref<1x1280x32xf32, #tpu.memory_space<vmem>>
    %dma_start3A_277 = tpu.memref_squeeze %dma_start3A_276 : memref<1x1280x32xf32, #tpu.memory_space<vmem>> -> memref<1280x32xf32, #tpu.memory_space<vmem>>
    %dma_start3A_278 = arith.constant 0 : i32
    %dma_start3A_279 = tpu.memref_slice %arg4[%add3A_272, %dma_start3A_278] : memref<819200x32xf32, #tpu.memory_space<hbm>> -> memref<1280x32xf32, #tpu.memory_space<hbm>>
    %dma_start3A_280 = arith.constant 0 : i32
    %dma_start3A_281 = tpu.memref_slice %arg4[%add3A_272, %dma_start3A_280] : memref<819200x32xf32, #tpu.memory_space<hbm>> -> memref<1280x32xf32, #tpu.memory_space<hbm>>
    %dma_start3A_282 = arith.constant 0 : i32
    %dma_start3A_283 = arith.constant 0 : i32
    %dma_start3A_284 = tpu.memref_slice %arg6[%dma_start3A_273, %dma_start3A_282, %dma_start3A_283] : memref<2x1280x32xf32, #tpu.memory_space<vmem>> -> memref<1x1280x32xf32, #tpu.memory_space<vmem>>
    %dma_start3A_285 = tpu.memref_squeeze %dma_start3A_284 : memref<1x1280x32xf32, #tpu.memory_space<vmem>> -> memref<1280x32xf32, #tpu.memory_space<vmem>>
    tpu.enqueue_dma source(%dma_start3A_285 : memref<1280x32xf32, #tpu.memory_space<vmem>>) target(%dma_start3A_281 : memref<1280x32xf32, #tpu.memory_space<hbm>>) target_semaphore(%arg10 : memref<!tpu.dma_semaphore, #tpu.memory_space<semaphore_mem>>)
    %dma_wait3A_286 = arith.constant 1 : i32
    %dma_wait3A_287 = arith.constant 0 : i32
    %dma_wait3A_288 = arith.constant 0 : i32
    %dma_wait3A_289 = tpu.memref_slice %arg6[%dma_wait3A_286, %dma_wait3A_287, %dma_wait3A_288] : memref<2x1280x32xf32, #tpu.memory_space<vmem>> -> memref<1x1280x32xf32, #tpu.memory_space<vmem>>
    %dma_wait3A_290 = tpu.memref_squeeze %dma_wait3A_289 : memref<1x1280x32xf32, #tpu.memory_space<vmem>> -> memref<1280x32xf32, #tpu.memory_space<vmem>>
    %dma_wait3A_291 = arith.constant 0 : i32
    %dma_wait3A_292 = tpu.memref_slice %arg4[%add3A_272, %dma_wait3A_291] : memref<819200x32xf32, #tpu.memory_space<hbm>> -> memref<1280x32xf32, #tpu.memory_space<hbm>>
    %dma_wait3A_293 = arith.constant 0 : i32
    %dma_wait3A_294 = tpu.memref_slice %arg4[%add3A_272, %dma_wait3A_293] : memref<819200x32xf32, #tpu.memory_space<hbm>> -> memref<1280x32xf32, #tpu.memory_space<hbm>>
    %dma_wait3A_295 = arith.constant 0 : i32
    %dma_wait3A_296 = arith.constant 0 : i32
    %dma_wait3A_297 = tpu.memref_slice %arg6[%dma_wait3A_286, %dma_wait3A_295, %dma_wait3A_296] : memref<2x1280x32xf32, #tpu.memory_space<vmem>> -> memref<1x1280x32xf32, #tpu.memory_space<vmem>>
    %dma_wait3A_298 = tpu.memref_squeeze %dma_wait3A_297 : memref<1x1280x32xf32, #tpu.memory_space<vmem>> -> memref<1280x32xf32, #tpu.memory_space<vmem>>
    tpu.wait_dma2 semaphore(%arg10 : memref<!tpu.dma_semaphore, #tpu.memory_space<semaphore_mem>>) src(%dma_wait3A_298 : memref<1280x32xf32, #tpu.memory_space<vmem>>) dst(%dma_wait3A_294 : memref<1280x32xf32, #tpu.memory_space<hbm>>)
    %dma_start3A_299 = arith.constant 1 : i32
    %dma_start3A_300 = arith.constant 0 : i32
    %dma_start3A_301 = arith.constant 0 : i32
    %dma_start3A_302 = tpu.memref_slice %arg6[%dma_start3A_299, %dma_start3A_300, %dma_start3A_301] : memref<2x1280x32xf32, #tpu.memory_space<vmem>> -> memref<1x1280x32xf32, #tpu.memory_space<vmem>>
    %dma_start3A_303 = tpu.memref_squeeze %dma_start3A_302 : memref<1x1280x32xf32, #tpu.memory_space<vmem>> -> memref<1280x32xf32, #tpu.memory_space<vmem>>
    %dma_start3A_304 = arith.constant 8960 : i32
    %dma_start3A_305 = tpu.memref_slice %arg5[%dma_start3A_304] : memref<25600xi32, #tpu.memory_space<vmem>> -> memref<1280xi32, #tpu.memory_space<vmem>>
    %dma_start3A_306 = arith.constant 0 : i32
    %dma_start3A_307 = arith.constant 0 : i32
    %dma_start3A_308 = tpu.memref_slice %arg3[%dma_start3A_306, %dma_start3A_307] : memref<1000000x32xf32, #tpu.memory_space<hbm>> -> memref<1000000x32xf32, #tpu.memory_space<hbm>>
    tpu.enqueue_indirect_dma source(%dma_start3A_308 : memref<1000000x32xf32, #tpu.memory_space<hbm>>) target(%dma_start3A_303 : memref<1280x32xf32, #tpu.memory_space<vmem>>) offsets(%dma_start3A_305 : memref<1280xi32, #tpu.memory_space<vmem>>) semaphore(%arg8 : memref<!tpu.dma_semaphore, #tpu.memory_space<semaphore_mem>>)
    %dma_wait3A_309 = arith.constant 0 : i32
    %dma_wait3A_310 = arith.constant 0 : i32
    %dma_wait3A_311 = arith.constant 0 : i32
    %dma_wait3A_312 = tpu.memref_slice %arg6[%dma_wait3A_309, %dma_wait3A_310, %dma_wait3A_311] : memref<2x1280x32xf32, #tpu.memory_space<vmem>> -> memref<1x1280x32xf32, #tpu.memory_space<vmem>>
    %dma_wait3A_313 = tpu.memref_squeeze %dma_wait3A_312 : memref<1x1280x32xf32, #tpu.memory_space<vmem>> -> memref<1280x32xf32, #tpu.memory_space<vmem>>
    %dma_wait3A_314 = arith.constant 7680 : i32
    %dma_wait3A_315 = tpu.memref_slice %arg5[%dma_wait3A_314] : memref<25600xi32, #tpu.memory_space<vmem>> -> memref<1280xi32, #tpu.memory_space<vmem>>
    %dma_wait3A_316 = arith.constant 0 : i32
    %dma_wait3A_317 = arith.constant 0 : i32
    %dma_wait3A_318 = tpu.memref_slice %arg3[%dma_wait3A_316, %dma_wait3A_317] : memref<1000000x32xf32, #tpu.memory_space<hbm>> -> memref<1000000x32xf32, #tpu.memory_space<hbm>>
    tpu.wait_indirect_dma semaphore(%arg7 : memref<!tpu.dma_semaphore, #tpu.memory_space<semaphore_mem>>) src(%dma_wait3A_318 : memref<1000000x32xf32, #tpu.memory_space<hbm>>) dst(%dma_wait3A_313 : memref<1280x32xf32, #tpu.memory_space<vmem>>)
    %add3A_319 = arith.constant 7680 : i32
    %add3A_320 = arith.addi %mul3A_2, %add3A_319 : i32
    %dma_start3A_321 = arith.constant 0 : i32
    %dma_start3A_322 = arith.constant 0 : i32
    %dma_start3A_323 = arith.constant 0 : i32
    %dma_start3A_324 = tpu.memref_slice %arg6[%dma_start3A_321, %dma_start3A_322, %dma_start3A_323] : memref<2x1280x32xf32, #tpu.memory_space<vmem>> -> memref<1x1280x32xf32, #tpu.memory_space<vmem>>
    %dma_start3A_325 = tpu.memref_squeeze %dma_start3A_324 : memref<1x1280x32xf32, #tpu.memory_space<vmem>> -> memref<1280x32xf32, #tpu.memory_space<vmem>>
    %dma_start3A_326 = arith.constant 0 : i32
    %dma_start3A_327 = tpu.memref_slice %arg4[%add3A_320, %dma_start3A_326] : memref<819200x32xf32, #tpu.memory_space<hbm>> -> memref<1280x32xf32, #tpu.memory_space<hbm>>
    %dma_start3A_328 = arith.constant 0 : i32
    %dma_start3A_329 = tpu.memref_slice %arg4[%add3A_320, %dma_start3A_328] : memref<819200x32xf32, #tpu.memory_space<hbm>> -> memref<1280x32xf32, #tpu.memory_space<hbm>>
    %dma_start3A_330 = arith.constant 0 : i32
    %dma_start3A_331 = arith.constant 0 : i32
    %dma_start3A_332 = tpu.memref_slice %arg6[%dma_start3A_321, %dma_start3A_330, %dma_start3A_331] : memref<2x1280x32xf32, #tpu.memory_space<vmem>> -> memref<1x1280x32xf32, #tpu.memory_space<vmem>>
    %dma_start3A_333 = tpu.memref_squeeze %dma_start3A_332 : memref<1x1280x32xf32, #tpu.memory_space<vmem>> -> memref<1280x32xf32, #tpu.memory_space<vmem>>
    tpu.enqueue_dma source(%dma_start3A_333 : memref<1280x32xf32, #tpu.memory_space<vmem>>) target(%dma_start3A_329 : memref<1280x32xf32, #tpu.memory_space<hbm>>) target_semaphore(%arg9 : memref<!tpu.dma_semaphore, #tpu.memory_space<semaphore_mem>>)
    %dma_wait3A_334 = arith.constant 0 : i32
    %dma_wait3A_335 = arith.constant 0 : i32
    %dma_wait3A_336 = arith.constant 0 : i32
    %dma_wait3A_337 = tpu.memref_slice %arg6[%dma_wait3A_334, %dma_wait3A_335, %dma_wait3A_336] : memref<2x1280x32xf32, #tpu.memory_space<vmem>> -> memref<1x1280x32xf32, #tpu.memory_space<vmem>>
    %dma_wait3A_338 = tpu.memref_squeeze %dma_wait3A_337 : memref<1x1280x32xf32, #tpu.memory_space<vmem>> -> memref<1280x32xf32, #tpu.memory_space<vmem>>
    %dma_wait3A_339 = arith.constant 0 : i32
    %dma_wait3A_340 = tpu.memref_slice %arg4[%add3A_320, %dma_wait3A_339] : memref<819200x32xf32, #tpu.memory_space<hbm>> -> memref<1280x32xf32, #tpu.memory_space<hbm>>
    %dma_wait3A_341 = arith.constant 0 : i32
    %dma_wait3A_342 = tpu.memref_slice %arg4[%add3A_320, %dma_wait3A_341] : memref<819200x32xf32, #tpu.memory_space<hbm>> -> memref<1280x32xf32, #tpu.memory_space<hbm>>
    %dma_wait3A_343 = arith.constant 0 : i32
    %dma_wait3A_344 = arith.constant 0 : i32
    %dma_wait3A_345 = tpu.memref_slice %arg6[%dma_wait3A_334, %dma_wait3A_343, %dma_wait3A_344] : memref<2x1280x32xf32, #tpu.memory_space<vmem>> -> memref<1x1280x32xf32, #tpu.memory_space<vmem>>
    %dma_wait3A_346 = tpu.memref_squeeze %dma_wait3A_345 : memref<1x1280x32xf32, #tpu.memory_space<vmem>> -> memref<1280x32xf32, #tpu.memory_space<vmem>>
    tpu.wait_dma2 semaphore(%arg9 : memref<!tpu.dma_semaphore, #tpu.memory_space<semaphore_mem>>) src(%dma_wait3A_346 : memref<1280x32xf32, #tpu.memory_space<vmem>>) dst(%dma_wait3A_342 : memref<1280x32xf32, #tpu.memory_space<hbm>>)
    %dma_start3A_347 = arith.constant 0 : i32
    %dma_start3A_348 = arith.constant 0 : i32
    %dma_start3A_349 = arith.constant 0 : i32
    %dma_start3A_350 = tpu.memref_slice %arg6[%dma_start3A_347, %dma_start3A_348, %dma_start3A_349] : memref<2x1280x32xf32, #tpu.memory_space<vmem>> -> memref<1x1280x32xf32, #tpu.memory_space<vmem>>
    %dma_start3A_351 = tpu.memref_squeeze %dma_start3A_350 : memref<1x1280x32xf32, #tpu.memory_space<vmem>> -> memref<1280x32xf32, #tpu.memory_space<vmem>>
    %dma_start3A_352 = arith.constant 10240 : i32
    %dma_start3A_353 = tpu.memref_slice %arg5[%dma_start3A_352] : memref<25600xi32, #tpu.memory_space<vmem>> -> memref<1280xi32, #tpu.memory_space<vmem>>
    %dma_start3A_354 = arith.constant 0 : i32
    %dma_start3A_355 = arith.constant 0 : i32
    %dma_start3A_356 = tpu.memref_slice %arg3[%dma_start3A_354, %dma_start3A_355] : memref<1000000x32xf32, #tpu.memory_space<hbm>> -> memref<1000000x32xf32, #tpu.memory_space<hbm>>
    tpu.enqueue_indirect_dma source(%dma_start3A_356 : memref<1000000x32xf32, #tpu.memory_space<hbm>>) target(%dma_start3A_351 : memref<1280x32xf32, #tpu.memory_space<vmem>>) offsets(%dma_start3A_353 : memref<1280xi32, #tpu.memory_space<vmem>>) semaphore(%arg7 : memref<!tpu.dma_semaphore, #tpu.memory_space<semaphore_mem>>)
    %dma_wait3A_357 = arith.constant 1 : i32
    %dma_wait3A_358 = arith.constant 0 : i32
    %dma_wait3A_359 = arith.constant 0 : i32
    %dma_wait3A_360 = tpu.memref_slice %arg6[%dma_wait3A_357, %dma_wait3A_358, %dma_wait3A_359] : memref<2x1280x32xf32, #tpu.memory_space<vmem>> -> memref<1x1280x32xf32, #tpu.memory_space<vmem>>
    %dma_wait3A_361 = tpu.memref_squeeze %dma_wait3A_360 : memref<1x1280x32xf32, #tpu.memory_space<vmem>> -> memref<1280x32xf32, #tpu.memory_space<vmem>>
    %dma_wait3A_362 = arith.constant 8960 : i32
    %dma_wait3A_363 = tpu.memref_slice %arg5[%dma_wait3A_362] : memref<25600xi32, #tpu.memory_space<vmem>> -> memref<1280xi32, #tpu.memory_space<vmem>>
    %dma_wait3A_364 = arith.constant 0 : i32
    %dma_wait3A_365 = arith.constant 0 : i32
    %dma_wait3A_366 = tpu.memref_slice %arg3[%dma_wait3A_364, %dma_wait3A_365] : memref<1000000x32xf32, #tpu.memory_space<hbm>> -> memref<1000000x32xf32, #tpu.memory_space<hbm>>
    tpu.wait_indirect_dma semaphore(%arg8 : memref<!tpu.dma_semaphore, #tpu.memory_space<semaphore_mem>>) src(%dma_wait3A_366 : memref<1000000x32xf32, #tpu.memory_space<hbm>>) dst(%dma_wait3A_361 : memref<1280x32xf32, #tpu.memory_space<vmem>>)
    %add3A_367 = arith.constant 8960 : i32
    %add3A_368 = arith.addi %mul3A_2, %add3A_367 : i32
    %dma_start3A_369 = arith.constant 1 : i32
    %dma_start3A_370 = arith.constant 0 : i32
    %dma_start3A_371 = arith.constant 0 : i32
    %dma_start3A_372 = tpu.memref_slice %arg6[%dma_start3A_369, %dma_start3A_370, %dma_start3A_371] : memref<2x1280x32xf32, #tpu.memory_space<vmem>> -> memref<1x1280x32xf32, #tpu.memory_space<vmem>>
    %dma_start3A_373 = tpu.memref_squeeze %dma_start3A_372 : memref<1x1280x32xf32, #tpu.memory_space<vmem>> -> memref<1280x32xf32, #tpu.memory_space<vmem>>
    %dma_start3A_374 = arith.constant 0 : i32
    %dma_start3A_375 = tpu.memref_slice %arg4[%add3A_368, %dma_start3A_374] : memref<819200x32xf32, #tpu.memory_space<hbm>> -> memref<1280x32xf32, #tpu.memory_space<hbm>>
    %dma_start3A_376 = arith.constant 0 : i32
    %dma_start3A_377 = tpu.memref_slice %arg4[%add3A_368, %dma_start3A_376] : memref<819200x32xf32, #tpu.memory_space<hbm>> -> memref<1280x32xf32, #tpu.memory_space<hbm>>
    %dma_start3A_378 = arith.constant 0 : i32
    %dma_start3A_379 = arith.constant 0 : i32
    %dma_start3A_380 = tpu.memref_slice %arg6[%dma_start3A_369, %dma_start3A_378, %dma_start3A_379] : memref<2x1280x32xf32, #tpu.memory_space<vmem>> -> memref<1x1280x32xf32, #tpu.memory_space<vmem>>
    %dma_start3A_381 = tpu.memref_squeeze %dma_start3A_380 : memref<1x1280x32xf32, #tpu.memory_space<vmem>> -> memref<1280x32xf32, #tpu.memory_space<vmem>>
    tpu.enqueue_dma source(%dma_start3A_381 : memref<1280x32xf32, #tpu.memory_space<vmem>>) target(%dma_start3A_377 : memref<1280x32xf32, #tpu.memory_space<hbm>>) target_semaphore(%arg10 : memref<!tpu.dma_semaphore, #tpu.memory_space<semaphore_mem>>)
    %dma_wait3A_382 = arith.constant 1 : i32
    %dma_wait3A_383 = arith.constant 0 : i32
    %dma_wait3A_384 = arith.constant 0 : i32
    %dma_wait3A_385 = tpu.memref_slice %arg6[%dma_wait3A_382, %dma_wait3A_383, %dma_wait3A_384] : memref<2x1280x32xf32, #tpu.memory_space<vmem>> -> memref<1x1280x32xf32, #tpu.memory_space<vmem>>
    %dma_wait3A_386 = tpu.memref_squeeze %dma_wait3A_385 : memref<1x1280x32xf32, #tpu.memory_space<vmem>> -> memref<1280x32xf32, #tpu.memory_space<vmem>>
    %dma_wait3A_387 = arith.constant 0 : i32
    %dma_wait3A_388 = tpu.memref_slice %arg4[%add3A_368, %dma_wait3A_387] : memref<819200x32xf32, #tpu.memory_space<hbm>> -> memref<1280x32xf32, #tpu.memory_space<hbm>>
    %dma_wait3A_389 = arith.constant 0 : i32
    %dma_wait3A_390 = tpu.memref_slice %arg4[%add3A_368, %dma_wait3A_389] : memref<819200x32xf32, #tpu.memory_space<hbm>> -> memref<1280x32xf32, #tpu.memory_space<hbm>>
    %dma_wait3A_391 = arith.constant 0 : i32
    %dma_wait3A_392 = arith.constant 0 : i32
    %dma_wait3A_393 = tpu.memref_slice %arg6[%dma_wait3A_382, %dma_wait3A_391, %dma_wait3A_392] : memref<2x1280x32xf32, #tpu.memory_space<vmem>> -> memref<1x1280x32xf32, #tpu.memory_space<vmem>>
    %dma_wait3A_394 = tpu.memref_squeeze %dma_wait3A_393 : memref<1x1280x32xf32, #tpu.memory_space<vmem>> -> memref<1280x32xf32, #tpu.memory_space<vmem>>
    tpu.wait_dma2 semaphore(%arg10 : memref<!tpu.dma_semaphore, #tpu.memory_space<semaphore_mem>>) src(%dma_wait3A_394 : memref<1280x32xf32, #tpu.memory_space<vmem>>) dst(%dma_wait3A_390 : memref<1280x32xf32, #tpu.memory_space<hbm>>)
    %dma_start3A_395 = arith.constant 1 : i32
    %dma_start3A_396 = arith.constant 0 : i32
    %dma_start3A_397 = arith.constant 0 : i32
    %dma_start3A_398 = tpu.memref_slice %arg6[%dma_start3A_395, %dma_start3A_396, %dma_start3A_397] : memref<2x1280x32xf32, #tpu.memory_space<vmem>> -> memref<1x1280x32xf32, #tpu.memory_space<vmem>>
    %dma_start3A_399 = tpu.memref_squeeze %dma_start3A_398 : memref<1x1280x32xf32, #tpu.memory_space<vmem>> -> memref<1280x32xf32, #tpu.memory_space<vmem>>
    %dma_start3A_400 = arith.constant 11520 : i32
    %dma_start3A_401 = tpu.memref_slice %arg5[%dma_start3A_400] : memref<25600xi32, #tpu.memory_space<vmem>> -> memref<1280xi32, #tpu.memory_space<vmem>>
    %dma_start3A_402 = arith.constant 0 : i32
    %dma_start3A_403 = arith.constant 0 : i32
    %dma_start3A_404 = tpu.memref_slice %arg3[%dma_start3A_402, %dma_start3A_403] : memref<1000000x32xf32, #tpu.memory_space<hbm>> -> memref<1000000x32xf32, #tpu.memory_space<hbm>>
    tpu.enqueue_indirect_dma source(%dma_start3A_404 : memref<1000000x32xf32, #tpu.memory_space<hbm>>) target(%dma_start3A_399 : memref<1280x32xf32, #tpu.memory_space<vmem>>) offsets(%dma_start3A_401 : memref<1280xi32, #tpu.memory_space<vmem>>) semaphore(%arg8 : memref<!tpu.dma_semaphore, #tpu.memory_space<semaphore_mem>>)
    %dma_wait3A_405 = arith.constant 0 : i32
    %dma_wait3A_406 = arith.constant 0 : i32
    %dma_wait3A_407 = arith.constant 0 : i32
    %dma_wait3A_408 = tpu.memref_slice %arg6[%dma_wait3A_405, %dma_wait3A_406, %dma_wait3A_407] : memref<2x1280x32xf32, #tpu.memory_space<vmem>> -> memref<1x1280x32xf32, #tpu.memory_space<vmem>>
    %dma_wait3A_409 = tpu.memref_squeeze %dma_wait3A_408 : memref<1x1280x32xf32, #tpu.memory_space<vmem>> -> memref<1280x32xf32, #tpu.memory_space<vmem>>
    %dma_wait3A_410 = arith.constant 10240 : i32
    %dma_wait3A_411 = tpu.memref_slice %arg5[%dma_wait3A_410] : memref<25600xi32, #tpu.memory_space<vmem>> -> memref<1280xi32, #tpu.memory_space<vmem>>
    %dma_wait3A_412 = arith.constant 0 : i32
    %dma_wait3A_413 = arith.constant 0 : i32
    %dma_wait3A_414 = tpu.memref_slice %arg3[%dma_wait3A_412, %dma_wait3A_413] : memref<1000000x32xf32, #tpu.memory_space<hbm>> -> memref<1000000x32xf32, #tpu.memory_space<hbm>>
    tpu.wait_indirect_dma semaphore(%arg7 : memref<!tpu.dma_semaphore, #tpu.memory_space<semaphore_mem>>) src(%dma_wait3A_414 : memref<1000000x32xf32, #tpu.memory_space<hbm>>) dst(%dma_wait3A_409 : memref<1280x32xf32, #tpu.memory_space<vmem>>)
    %add3A_415 = arith.constant 10240 : i32
    %add3A_416 = arith.addi %mul3A_2, %add3A_415 : i32
    %dma_start3A_417 = arith.constant 0 : i32
    %dma_start3A_418 = arith.constant 0 : i32
    %dma_start3A_419 = arith.constant 0 : i32
    %dma_start3A_420 = tpu.memref_slice %arg6[%dma_start3A_417, %dma_start3A_418, %dma_start3A_419] : memref<2x1280x32xf32, #tpu.memory_space<vmem>> -> memref<1x1280x32xf32, #tpu.memory_space<vmem>>
    %dma_start3A_421 = tpu.memref_squeeze %dma_start3A_420 : memref<1x1280x32xf32, #tpu.memory_space<vmem>> -> memref<1280x32xf32, #tpu.memory_space<vmem>>
    %dma_start3A_422 = arith.constant 0 : i32
    %dma_start3A_423 = tpu.memref_slice %arg4[%add3A_416, %dma_start3A_422] : memref<819200x32xf32, #tpu.memory_space<hbm>> -> memref<1280x32xf32, #tpu.memory_space<hbm>>
    %dma_start3A_424 = arith.constant 0 : i32
    %dma_start3A_425 = tpu.memref_slice %arg4[%add3A_416, %dma_start3A_424] : memref<819200x32xf32, #tpu.memory_space<hbm>> -> memref<1280x32xf32, #tpu.memory_space<hbm>>
    %dma_start3A_426 = arith.constant 0 : i32
    %dma_start3A_427 = arith.constant 0 : i32
    %dma_start3A_428 = tpu.memref_slice %arg6[%dma_start3A_417, %dma_start3A_426, %dma_start3A_427] : memref<2x1280x32xf32, #tpu.memory_space<vmem>> -> memref<1x1280x32xf32, #tpu.memory_space<vmem>>
    %dma_start3A_429 = tpu.memref_squeeze %dma_start3A_428 : memref<1x1280x32xf32, #tpu.memory_space<vmem>> -> memref<1280x32xf32, #tpu.memory_space<vmem>>
    tpu.enqueue_dma source(%dma_start3A_429 : memref<1280x32xf32, #tpu.memory_space<vmem>>) target(%dma_start3A_425 : memref<1280x32xf32, #tpu.memory_space<hbm>>) target_semaphore(%arg9 : memref<!tpu.dma_semaphore, #tpu.memory_space<semaphore_mem>>)
    %dma_wait3A_430 = arith.constant 0 : i32
    %dma_wait3A_431 = arith.constant 0 : i32
    %dma_wait3A_432 = arith.constant 0 : i32
    %dma_wait3A_433 = tpu.memref_slice %arg6[%dma_wait3A_430, %dma_wait3A_431, %dma_wait3A_432] : memref<2x1280x32xf32, #tpu.memory_space<vmem>> -> memref<1x1280x32xf32, #tpu.memory_space<vmem>>
    %dma_wait3A_434 = tpu.memref_squeeze %dma_wait3A_433 : memref<1x1280x32xf32, #tpu.memory_space<vmem>> -> memref<1280x32xf32, #tpu.memory_space<vmem>>
    %dma_wait3A_435 = arith.constant 0 : i32
    %dma_wait3A_436 = tpu.memref_slice %arg4[%add3A_416, %dma_wait3A_435] : memref<819200x32xf32, #tpu.memory_space<hbm>> -> memref<1280x32xf32, #tpu.memory_space<hbm>>
    %dma_wait3A_437 = arith.constant 0 : i32
    %dma_wait3A_438 = tpu.memref_slice %arg4[%add3A_416, %dma_wait3A_437] : memref<819200x32xf32, #tpu.memory_space<hbm>> -> memref<1280x32xf32, #tpu.memory_space<hbm>>
    %dma_wait3A_439 = arith.constant 0 : i32
    %dma_wait3A_440 = arith.constant 0 : i32
    %dma_wait3A_441 = tpu.memref_slice %arg6[%dma_wait3A_430, %dma_wait3A_439, %dma_wait3A_440] : memref<2x1280x32xf32, #tpu.memory_space<vmem>> -> memref<1x1280x32xf32, #tpu.memory_space<vmem>>
    %dma_wait3A_442 = tpu.memref_squeeze %dma_wait3A_441 : memref<1x1280x32xf32, #tpu.memory_space<vmem>> -> memref<1280x32xf32, #tpu.memory_space<vmem>>
    tpu.wait_dma2 semaphore(%arg9 : memref<!tpu.dma_semaphore, #tpu.memory_space<semaphore_mem>>) src(%dma_wait3A_442 : memref<1280x32xf32, #tpu.memory_space<vmem>>) dst(%dma_wait3A_438 : memref<1280x32xf32, #tpu.memory_space<hbm>>)
    %dma_start3A_443 = arith.constant 0 : i32
    %dma_start3A_444 = arith.constant 0 : i32
    %dma_start3A_445 = arith.constant 0 : i32
    %dma_start3A_446 = tpu.memref_slice %arg6[%dma_start3A_443, %dma_start3A_444, %dma_start3A_445] : memref<2x1280x32xf32, #tpu.memory_space<vmem>> -> memref<1x1280x32xf32, #tpu.memory_space<vmem>>
    %dma_start3A_447 = tpu.memref_squeeze %dma_start3A_446 : memref<1x1280x32xf32, #tpu.memory_space<vmem>> -> memref<1280x32xf32, #tpu.memory_space<vmem>>
    %dma_start3A_448 = arith.constant 12800 : i32
    %dma_start3A_449 = tpu.memref_slice %arg5[%dma_start3A_448] : memref<25600xi32, #tpu.memory_space<vmem>> -> memref<1280xi32, #tpu.memory_space<vmem>>
    %dma_start3A_450 = arith.constant 0 : i32
    %dma_start3A_451 = arith.constant 0 : i32
    %dma_start3A_452 = tpu.memref_slice %arg3[%dma_start3A_450, %dma_start3A_451] : memref<1000000x32xf32, #tpu.memory_space<hbm>> -> memref<1000000x32xf32, #tpu.memory_space<hbm>>
    tpu.enqueue_indirect_dma source(%dma_start3A_452 : memref<1000000x32xf32, #tpu.memory_space<hbm>>) target(%dma_start3A_447 : memref<1280x32xf32, #tpu.memory_space<vmem>>) offsets(%dma_start3A_449 : memref<1280xi32, #tpu.memory_space<vmem>>) semaphore(%arg7 : memref<!tpu.dma_semaphore, #tpu.memory_space<semaphore_mem>>)
    %dma_wait3A_453 = arith.constant 1 : i32
    %dma_wait3A_454 = arith.constant 0 : i32
    %dma_wait3A_455 = arith.constant 0 : i32
    %dma_wait3A_456 = tpu.memref_slice %arg6[%dma_wait3A_453, %dma_wait3A_454, %dma_wait3A_455] : memref<2x1280x32xf32, #tpu.memory_space<vmem>> -> memref<1x1280x32xf32, #tpu.memory_space<vmem>>
    %dma_wait3A_457 = tpu.memref_squeeze %dma_wait3A_456 : memref<1x1280x32xf32, #tpu.memory_space<vmem>> -> memref<1280x32xf32, #tpu.memory_space<vmem>>
    %dma_wait3A_458 = arith.constant 11520 : i32
    %dma_wait3A_459 = tpu.memref_slice %arg5[%dma_wait3A_458] : memref<25600xi32, #tpu.memory_space<vmem>> -> memref<1280xi32, #tpu.memory_space<vmem>>
    %dma_wait3A_460 = arith.constant 0 : i32
    %dma_wait3A_461 = arith.constant 0 : i32
    %dma_wait3A_462 = tpu.memref_slice %arg3[%dma_wait3A_460, %dma_wait3A_461] : memref<1000000x32xf32, #tpu.memory_space<hbm>> -> memref<1000000x32xf32, #tpu.memory_space<hbm>>
    tpu.wait_indirect_dma semaphore(%arg8 : memref<!tpu.dma_semaphore, #tpu.memory_space<semaphore_mem>>) src(%dma_wait3A_462 : memref<1000000x32xf32, #tpu.memory_space<hbm>>) dst(%dma_wait3A_457 : memref<1280x32xf32, #tpu.memory_space<vmem>>)
    %add3A_463 = arith.constant 11520 : i32
    %add3A_464 = arith.addi %mul3A_2, %add3A_463 : i32
    %dma_start3A_465 = arith.constant 1 : i32
    %dma_start3A_466 = arith.constant 0 : i32
    %dma_start3A_467 = arith.constant 0 : i32
    %dma_start3A_468 = tpu.memref_slice %arg6[%dma_start3A_465, %dma_start3A_466, %dma_start3A_467] : memref<2x1280x32xf32, #tpu.memory_space<vmem>> -> memref<1x1280x32xf32, #tpu.memory_space<vmem>>
    %dma_start3A_469 = tpu.memref_squeeze %dma_start3A_468 : memref<1x1280x32xf32, #tpu.memory_space<vmem>> -> memref<1280x32xf32, #tpu.memory_space<vmem>>
    %dma_start3A_470 = arith.constant 0 : i32
    %dma_start3A_471 = tpu.memref_slice %arg4[%add3A_464, %dma_start3A_470] : memref<819200x32xf32, #tpu.memory_space<hbm>> -> memref<1280x32xf32, #tpu.memory_space<hbm>>
    %dma_start3A_472 = arith.constant 0 : i32
    %dma_start3A_473 = tpu.memref_slice %arg4[%add3A_464, %dma_start3A_472] : memref<819200x32xf32, #tpu.memory_space<hbm>> -> memref<1280x32xf32, #tpu.memory_space<hbm>>
    %dma_start3A_474 = arith.constant 0 : i32
    %dma_start3A_475 = arith.constant 0 : i32
    %dma_start3A_476 = tpu.memref_slice %arg6[%dma_start3A_465, %dma_start3A_474, %dma_start3A_475] : memref<2x1280x32xf32, #tpu.memory_space<vmem>> -> memref<1x1280x32xf32, #tpu.memory_space<vmem>>
    %dma_start3A_477 = tpu.memref_squeeze %dma_start3A_476 : memref<1x1280x32xf32, #tpu.memory_space<vmem>> -> memref<1280x32xf32, #tpu.memory_space<vmem>>
    tpu.enqueue_dma source(%dma_start3A_477 : memref<1280x32xf32, #tpu.memory_space<vmem>>) target(%dma_start3A_473 : memref<1280x32xf32, #tpu.memory_space<hbm>>) target_semaphore(%arg10 : memref<!tpu.dma_semaphore, #tpu.memory_space<semaphore_mem>>)
    %dma_wait3A_478 = arith.constant 1 : i32
    %dma_wait3A_479 = arith.constant 0 : i32
    %dma_wait3A_480 = arith.constant 0 : i32
    %dma_wait3A_481 = tpu.memref_slice %arg6[%dma_wait3A_478, %dma_wait3A_479, %dma_wait3A_480] : memref<2x1280x32xf32, #tpu.memory_space<vmem>> -> memref<1x1280x32xf32, #tpu.memory_space<vmem>>
    %dma_wait3A_482 = tpu.memref_squeeze %dma_wait3A_481 : memref<1x1280x32xf32, #tpu.memory_space<vmem>> -> memref<1280x32xf32, #tpu.memory_space<vmem>>
    %dma_wait3A_483 = arith.constant 0 : i32
    %dma_wait3A_484 = tpu.memref_slice %arg4[%add3A_464, %dma_wait3A_483] : memref<819200x32xf32, #tpu.memory_space<hbm>> -> memref<1280x32xf32, #tpu.memory_space<hbm>>
    %dma_wait3A_485 = arith.constant 0 : i32
    %dma_wait3A_486 = tpu.memref_slice %arg4[%add3A_464, %dma_wait3A_485] : memref<819200x32xf32, #tpu.memory_space<hbm>> -> memref<1280x32xf32, #tpu.memory_space<hbm>>
    %dma_wait3A_487 = arith.constant 0 : i32
    %dma_wait3A_488 = arith.constant 0 : i32
    %dma_wait3A_489 = tpu.memref_slice %arg6[%dma_wait3A_478, %dma_wait3A_487, %dma_wait3A_488] : memref<2x1280x32xf32, #tpu.memory_space<vmem>> -> memref<1x1280x32xf32, #tpu.memory_space<vmem>>
    %dma_wait3A_490 = tpu.memref_squeeze %dma_wait3A_489 : memref<1x1280x32xf32, #tpu.memory_space<vmem>> -> memref<1280x32xf32, #tpu.memory_space<vmem>>
    tpu.wait_dma2 semaphore(%arg10 : memref<!tpu.dma_semaphore, #tpu.memory_space<semaphore_mem>>) src(%dma_wait3A_490 : memref<1280x32xf32, #tpu.memory_space<vmem>>) dst(%dma_wait3A_486 : memref<1280x32xf32, #tpu.memory_space<hbm>>)
    %dma_start3A_491 = arith.constant 1 : i32
    %dma_start3A_492 = arith.constant 0 : i32
    %dma_start3A_493 = arith.constant 0 : i32
    %dma_start3A_494 = tpu.memref_slice %arg6[%dma_start3A_491, %dma_start3A_492, %dma_start3A_493] : memref<2x1280x32xf32, #tpu.memory_space<vmem>> -> memref<1x1280x32xf32, #tpu.memory_space<vmem>>
    %dma_start3A_495 = tpu.memref_squeeze %dma_start3A_494 : memref<1x1280x32xf32, #tpu.memory_space<vmem>> -> memref<1280x32xf32, #tpu.memory_space<vmem>>
    %dma_start3A_496 = arith.constant 14080 : i32
    %dma_start3A_497 = tpu.memref_slice %arg5[%dma_start3A_496] : memref<25600xi32, #tpu.memory_space<vmem>> -> memref<1280xi32, #tpu.memory_space<vmem>>
    %dma_start3A_498 = arith.constant 0 : i32
    %dma_start3A_499 = arith.constant 0 : i32
    %dma_start3A_500 = tpu.memref_slice %arg3[%dma_start3A_498, %dma_start3A_499] : memref<1000000x32xf32, #tpu.memory_space<hbm>> -> memref<1000000x32xf32, #tpu.memory_space<hbm>>
    tpu.enqueue_indirect_dma source(%dma_start3A_500 : memref<1000000x32xf32, #tpu.memory_space<hbm>>) target(%dma_start3A_495 : memref<1280x32xf32, #tpu.memory_space<vmem>>) offsets(%dma_start3A_497 : memref<1280xi32, #tpu.memory_space<vmem>>) semaphore(%arg8 : memref<!tpu.dma_semaphore, #tpu.memory_space<semaphore_mem>>)
    %dma_wait3A_501 = arith.constant 0 : i32
    %dma_wait3A_502 = arith.constant 0 : i32
    %dma_wait3A_503 = arith.constant 0 : i32
    %dma_wait3A_504 = tpu.memref_slice %arg6[%dma_wait3A_501, %dma_wait3A_502, %dma_wait3A_503] : memref<2x1280x32xf32, #tpu.memory_space<vmem>> -> memref<1x1280x32xf32, #tpu.memory_space<vmem>>
    %dma_wait3A_505 = tpu.memref_squeeze %dma_wait3A_504 : memref<1x1280x32xf32, #tpu.memory_space<vmem>> -> memref<1280x32xf32, #tpu.memory_space<vmem>>
    %dma_wait3A_506 = arith.constant 12800 : i32
    %dma_wait3A_507 = tpu.memref_slice %arg5[%dma_wait3A_506] : memref<25600xi32, #tpu.memory_space<vmem>> -> memref<1280xi32, #tpu.memory_space<vmem>>
    %dma_wait3A_508 = arith.constant 0 : i32
    %dma_wait3A_509 = arith.constant 0 : i32
    %dma_wait3A_510 = tpu.memref_slice %arg3[%dma_wait3A_508, %dma_wait3A_509] : memref<1000000x32xf32, #tpu.memory_space<hbm>> -> memref<1000000x32xf32, #tpu.memory_space<hbm>>
    tpu.wait_indirect_dma semaphore(%arg7 : memref<!tpu.dma_semaphore, #tpu.memory_space<semaphore_mem>>) src(%dma_wait3A_510 : memref<1000000x32xf32, #tpu.memory_space<hbm>>) dst(%dma_wait3A_505 : memref<1280x32xf32, #tpu.memory_space<vmem>>)
    %add3A_511 = arith.constant 12800 : i32
    %add3A_512 = arith.addi %mul3A_2, %add3A_511 : i32
    %dma_start3A_513 = arith.constant 0 : i32
    %dma_start3A_514 = arith.constant 0 : i32
    %dma_start3A_515 = arith.constant 0 : i32
    %dma_start3A_516 = tpu.memref_slice %arg6[%dma_start3A_513, %dma_start3A_514, %dma_start3A_515] : memref<2x1280x32xf32, #tpu.memory_space<vmem>> -> memref<1x1280x32xf32, #tpu.memory_space<vmem>>
    %dma_start3A_517 = tpu.memref_squeeze %dma_start3A_516 : memref<1x1280x32xf32, #tpu.memory_space<vmem>> -> memref<1280x32xf32, #tpu.memory_space<vmem>>
    %dma_start3A_518 = arith.constant 0 : i32
    %dma_start3A_519 = tpu.memref_slice %arg4[%add3A_512, %dma_start3A_518] : memref<819200x32xf32, #tpu.memory_space<hbm>> -> memref<1280x32xf32, #tpu.memory_space<hbm>>
    %dma_start3A_520 = arith.constant 0 : i32
    %dma_start3A_521 = tpu.memref_slice %arg4[%add3A_512, %dma_start3A_520] : memref<819200x32xf32, #tpu.memory_space<hbm>> -> memref<1280x32xf32, #tpu.memory_space<hbm>>
    %dma_start3A_522 = arith.constant 0 : i32
    %dma_start3A_523 = arith.constant 0 : i32
    %dma_start3A_524 = tpu.memref_slice %arg6[%dma_start3A_513, %dma_start3A_522, %dma_start3A_523] : memref<2x1280x32xf32, #tpu.memory_space<vmem>> -> memref<1x1280x32xf32, #tpu.memory_space<vmem>>
    %dma_start3A_525 = tpu.memref_squeeze %dma_start3A_524 : memref<1x1280x32xf32, #tpu.memory_space<vmem>> -> memref<1280x32xf32, #tpu.memory_space<vmem>>
    tpu.enqueue_dma source(%dma_start3A_525 : memref<1280x32xf32, #tpu.memory_space<vmem>>) target(%dma_start3A_521 : memref<1280x32xf32, #tpu.memory_space<hbm>>) target_semaphore(%arg9 : memref<!tpu.dma_semaphore, #tpu.memory_space<semaphore_mem>>)
    %dma_wait3A_526 = arith.constant 0 : i32
    %dma_wait3A_527 = arith.constant 0 : i32
    %dma_wait3A_528 = arith.constant 0 : i32
    %dma_wait3A_529 = tpu.memref_slice %arg6[%dma_wait3A_526, %dma_wait3A_527, %dma_wait3A_528] : memref<2x1280x32xf32, #tpu.memory_space<vmem>> -> memref<1x1280x32xf32, #tpu.memory_space<vmem>>
    %dma_wait3A_530 = tpu.memref_squeeze %dma_wait3A_529 : memref<1x1280x32xf32, #tpu.memory_space<vmem>> -> memref<1280x32xf32, #tpu.memory_space<vmem>>
    %dma_wait3A_531 = arith.constant 0 : i32
    %dma_wait3A_532 = tpu.memref_slice %arg4[%add3A_512, %dma_wait3A_531] : memref<819200x32xf32, #tpu.memory_space<hbm>> -> memref<1280x32xf32, #tpu.memory_space<hbm>>
    %dma_wait3A_533 = arith.constant 0 : i32
    %dma_wait3A_534 = tpu.memref_slice %arg4[%add3A_512, %dma_wait3A_533] : memref<819200x32xf32, #tpu.memory_space<hbm>> -> memref<1280x32xf32, #tpu.memory_space<hbm>>
    %dma_wait3A_535 = arith.constant 0 : i32
    %dma_wait3A_536 = arith.constant 0 : i32
    %dma_wait3A_537 = tpu.memref_slice %arg6[%dma_wait3A_526, %dma_wait3A_535, %dma_wait3A_536] : memref<2x1280x32xf32, #tpu.memory_space<vmem>> -> memref<1x1280x32xf32, #tpu.memory_space<vmem>>
    %dma_wait3A_538 = tpu.memref_squeeze %dma_wait3A_537 : memref<1x1280x32xf32, #tpu.memory_space<vmem>> -> memref<1280x32xf32, #tpu.memory_space<vmem>>
    tpu.wait_dma2 semaphore(%arg9 : memref<!tpu.dma_semaphore, #tpu.memory_space<semaphore_mem>>) src(%dma_wait3A_538 : memref<1280x32xf32, #tpu.memory_space<vmem>>) dst(%dma_wait3A_534 : memref<1280x32xf32, #tpu.memory_space<hbm>>)
    %dma_start3A_539 = arith.constant 0 : i32
    %dma_start3A_540 = arith.constant 0 : i32
    %dma_start3A_541 = arith.constant 0 : i32
    %dma_start3A_542 = tpu.memref_slice %arg6[%dma_start3A_539, %dma_start3A_540, %dma_start3A_541] : memref<2x1280x32xf32, #tpu.memory_space<vmem>> -> memref<1x1280x32xf32, #tpu.memory_space<vmem>>
    %dma_start3A_543 = tpu.memref_squeeze %dma_start3A_542 : memref<1x1280x32xf32, #tpu.memory_space<vmem>> -> memref<1280x32xf32, #tpu.memory_space<vmem>>
    %dma_start3A_544 = arith.constant 15360 : i32
    %dma_start3A_545 = tpu.memref_slice %arg5[%dma_start3A_544] : memref<25600xi32, #tpu.memory_space<vmem>> -> memref<1280xi32, #tpu.memory_space<vmem>>
    %dma_start3A_546 = arith.constant 0 : i32
    %dma_start3A_547 = arith.constant 0 : i32
    %dma_start3A_548 = tpu.memref_slice %arg3[%dma_start3A_546, %dma_start3A_547] : memref<1000000x32xf32, #tpu.memory_space<hbm>> -> memref<1000000x32xf32, #tpu.memory_space<hbm>>
    tpu.enqueue_indirect_dma source(%dma_start3A_548 : memref<1000000x32xf32, #tpu.memory_space<hbm>>) target(%dma_start3A_543 : memref<1280x32xf32, #tpu.memory_space<vmem>>) offsets(%dma_start3A_545 : memref<1280xi32, #tpu.memory_space<vmem>>) semaphore(%arg7 : memref<!tpu.dma_semaphore, #tpu.memory_space<semaphore_mem>>)
    %dma_wait3A_549 = arith.constant 1 : i32
    %dma_wait3A_550 = arith.constant 0 : i32
    %dma_wait3A_551 = arith.constant 0 : i32
    %dma_wait3A_552 = tpu.memref_slice %arg6[%dma_wait3A_549, %dma_wait3A_550, %dma_wait3A_551] : memref<2x1280x32xf32, #tpu.memory_space<vmem>> -> memref<1x1280x32xf32, #tpu.memory_space<vmem>>
    %dma_wait3A_553 = tpu.memref_squeeze %dma_wait3A_552 : memref<1x1280x32xf32, #tpu.memory_space<vmem>> -> memref<1280x32xf32, #tpu.memory_space<vmem>>
    %dma_wait3A_554 = arith.constant 14080 : i32
    %dma_wait3A_555 = tpu.memref_slice %arg5[%dma_wait3A_554] : memref<25600xi32, #tpu.memory_space<vmem>> -> memref<1280xi32, #tpu.memory_space<vmem>>
    %dma_wait3A_556 = arith.constant 0 : i32
    %dma_wait3A_557 = arith.constant 0 : i32
    %dma_wait3A_558 = tpu.memref_slice %arg3[%dma_wait3A_556, %dma_wait3A_557] : memref<1000000x32xf32, #tpu.memory_space<hbm>> -> memref<1000000x32xf32, #tpu.memory_space<hbm>>
    tpu.wait_indirect_dma semaphore(%arg8 : memref<!tpu.dma_semaphore, #tpu.memory_space<semaphore_mem>>) src(%dma_wait3A_558 : memref<1000000x32xf32, #tpu.memory_space<hbm>>) dst(%dma_wait3A_553 : memref<1280x32xf32, #tpu.memory_space<vmem>>)
    %add3A_559 = arith.constant 14080 : i32
    %add3A_560 = arith.addi %mul3A_2, %add3A_559 : i32
    %dma_start3A_561 = arith.constant 1 : i32
    %dma_start3A_562 = arith.constant 0 : i32
    %dma_start3A_563 = arith.constant 0 : i32
    %dma_start3A_564 = tpu.memref_slice %arg6[%dma_start3A_561, %dma_start3A_562, %dma_start3A_563] : memref<2x1280x32xf32, #tpu.memory_space<vmem>> -> memref<1x1280x32xf32, #tpu.memory_space<vmem>>
    %dma_start3A_565 = tpu.memref_squeeze %dma_start3A_564 : memref<1x1280x32xf32, #tpu.memory_space<vmem>> -> memref<1280x32xf32, #tpu.memory_space<vmem>>
    %dma_start3A_566 = arith.constant 0 : i32
    %dma_start3A_567 = tpu.memref_slice %arg4[%add3A_560, %dma_start3A_566] : memref<819200x32xf32, #tpu.memory_space<hbm>> -> memref<1280x32xf32, #tpu.memory_space<hbm>>
    %dma_start3A_568 = arith.constant 0 : i32
    %dma_start3A_569 = tpu.memref_slice %arg4[%add3A_560, %dma_start3A_568] : memref<819200x32xf32, #tpu.memory_space<hbm>> -> memref<1280x32xf32, #tpu.memory_space<hbm>>
    %dma_start3A_570 = arith.constant 0 : i32
    %dma_start3A_571 = arith.constant 0 : i32
    %dma_start3A_572 = tpu.memref_slice %arg6[%dma_start3A_561, %dma_start3A_570, %dma_start3A_571] : memref<2x1280x32xf32, #tpu.memory_space<vmem>> -> memref<1x1280x32xf32, #tpu.memory_space<vmem>>
    %dma_start3A_573 = tpu.memref_squeeze %dma_start3A_572 : memref<1x1280x32xf32, #tpu.memory_space<vmem>> -> memref<1280x32xf32, #tpu.memory_space<vmem>>
    tpu.enqueue_dma source(%dma_start3A_573 : memref<1280x32xf32, #tpu.memory_space<vmem>>) target(%dma_start3A_569 : memref<1280x32xf32, #tpu.memory_space<hbm>>) target_semaphore(%arg10 : memref<!tpu.dma_semaphore, #tpu.memory_space<semaphore_mem>>)
    %dma_wait3A_574 = arith.constant 1 : i32
    %dma_wait3A_575 = arith.constant 0 : i32
    %dma_wait3A_576 = arith.constant 0 : i32
    %dma_wait3A_577 = tpu.memref_slice %arg6[%dma_wait3A_574, %dma_wait3A_575, %dma_wait3A_576] : memref<2x1280x32xf32, #tpu.memory_space<vmem>> -> memref<1x1280x32xf32, #tpu.memory_space<vmem>>
    %dma_wait3A_578 = tpu.memref_squeeze %dma_wait3A_577 : memref<1x1280x32xf32, #tpu.memory_space<vmem>> -> memref<1280x32xf32, #tpu.memory_space<vmem>>
    %dma_wait3A_579 = arith.constant 0 : i32
    %dma_wait3A_580 = tpu.memref_slice %arg4[%add3A_560, %dma_wait3A_579] : memref<819200x32xf32, #tpu.memory_space<hbm>> -> memref<1280x32xf32, #tpu.memory_space<hbm>>
    %dma_wait3A_581 = arith.constant 0 : i32
    %dma_wait3A_582 = tpu.memref_slice %arg4[%add3A_560, %dma_wait3A_581] : memref<819200x32xf32, #tpu.memory_space<hbm>> -> memref<1280x32xf32, #tpu.memory_space<hbm>>
    %dma_wait3A_583 = arith.constant 0 : i32
    %dma_wait3A_584 = arith.constant 0 : i32
    %dma_wait3A_585 = tpu.memref_slice %arg6[%dma_wait3A_574, %dma_wait3A_583, %dma_wait3A_584] : memref<2x1280x32xf32, #tpu.memory_space<vmem>> -> memref<1x1280x32xf32, #tpu.memory_space<vmem>>
    %dma_wait3A_586 = tpu.memref_squeeze %dma_wait3A_585 : memref<1x1280x32xf32, #tpu.memory_space<vmem>> -> memref<1280x32xf32, #tpu.memory_space<vmem>>
    tpu.wait_dma2 semaphore(%arg10 : memref<!tpu.dma_semaphore, #tpu.memory_space<semaphore_mem>>) src(%dma_wait3A_586 : memref<1280x32xf32, #tpu.memory_space<vmem>>) dst(%dma_wait3A_582 : memref<1280x32xf32, #tpu.memory_space<hbm>>)
    %dma_start3A_587 = arith.constant 1 : i32
    %dma_start3A_588 = arith.constant 0 : i32
    %dma_start3A_589 = arith.constant 0 : i32
    %dma_start3A_590 = tpu.memref_slice %arg6[%dma_start3A_587, %dma_start3A_588, %dma_start3A_589] : memref<2x1280x32xf32, #tpu.memory_space<vmem>> -> memref<1x1280x32xf32, #tpu.memory_space<vmem>>
    %dma_start3A_591 = tpu.memref_squeeze %dma_start3A_590 : memref<1x1280x32xf32, #tpu.memory_space<vmem>> -> memref<1280x32xf32, #tpu.memory_space<vmem>>
    %dma_start3A_592 = arith.constant 16640 : i32
    %dma_start3A_593 = tpu.memref_slice %arg5[%dma_start3A_592] : memref<25600xi32, #tpu.memory_space<vmem>> -> memref<1280xi32, #tpu.memory_space<vmem>>
    %dma_start3A_594 = arith.constant 0 : i32
    %dma_start3A_595 = arith.constant 0 : i32
    %dma_start3A_596 = tpu.memref_slice %arg3[%dma_start3A_594, %dma_start3A_595] : memref<1000000x32xf32, #tpu.memory_space<hbm>> -> memref<1000000x32xf32, #tpu.memory_space<hbm>>
    tpu.enqueue_indirect_dma source(%dma_start3A_596 : memref<1000000x32xf32, #tpu.memory_space<hbm>>) target(%dma_start3A_591 : memref<1280x32xf32, #tpu.memory_space<vmem>>) offsets(%dma_start3A_593 : memref<1280xi32, #tpu.memory_space<vmem>>) semaphore(%arg8 : memref<!tpu.dma_semaphore, #tpu.memory_space<semaphore_mem>>)
    %dma_wait3A_597 = arith.constant 0 : i32
    %dma_wait3A_598 = arith.constant 0 : i32
    %dma_wait3A_599 = arith.constant 0 : i32
    %dma_wait3A_600 = tpu.memref_slice %arg6[%dma_wait3A_597, %dma_wait3A_598, %dma_wait3A_599] : memref<2x1280x32xf32, #tpu.memory_space<vmem>> -> memref<1x1280x32xf32, #tpu.memory_space<vmem>>
    %dma_wait3A_601 = tpu.memref_squeeze %dma_wait3A_600 : memref<1x1280x32xf32, #tpu.memory_space<vmem>> -> memref<1280x32xf32, #tpu.memory_space<vmem>>
    %dma_wait3A_602 = arith.constant 15360 : i32
    %dma_wait3A_603 = tpu.memref_slice %arg5[%dma_wait3A_602] : memref<25600xi32, #tpu.memory_space<vmem>> -> memref<1280xi32, #tpu.memory_space<vmem>>
    %dma_wait3A_604 = arith.constant 0 : i32
    %dma_wait3A_605 = arith.constant 0 : i32
    %dma_wait3A_606 = tpu.memref_slice %arg3[%dma_wait3A_604, %dma_wait3A_605] : memref<1000000x32xf32, #tpu.memory_space<hbm>> -> memref<1000000x32xf32, #tpu.memory_space<hbm>>
    tpu.wait_indirect_dma semaphore(%arg7 : memref<!tpu.dma_semaphore, #tpu.memory_space<semaphore_mem>>) src(%dma_wait3A_606 : memref<1000000x32xf32, #tpu.memory_space<hbm>>) dst(%dma_wait3A_601 : memref<1280x32xf32, #tpu.memory_space<vmem>>)
    %add3A_607 = arith.constant 15360 : i32
    %add3A_608 = arith.addi %mul3A_2, %add3A_607 : i32
    %dma_start3A_609 = arith.constant 0 : i32
    %dma_start3A_610 = arith.constant 0 : i32
    %dma_start3A_611 = arith.constant 0 : i32
    %dma_start3A_612 = tpu.memref_slice %arg6[%dma_start3A_609, %dma_start3A_610, %dma_start3A_611] : memref<2x1280x32xf32, #tpu.memory_space<vmem>> -> memref<1x1280x32xf32, #tpu.memory_space<vmem>>
    %dma_start3A_613 = tpu.memref_squeeze %dma_start3A_612 : memref<1x1280x32xf32, #tpu.memory_space<vmem>> -> memref<1280x32xf32, #tpu.memory_space<vmem>>
    %dma_start3A_614 = arith.constant 0 : i32
    %dma_start3A_615 = tpu.memref_slice %arg4[%add3A_608, %dma_start3A_614] : memref<819200x32xf32, #tpu.memory_space<hbm>> -> memref<1280x32xf32, #tpu.memory_space<hbm>>
    %dma_start3A_616 = arith.constant 0 : i32
    %dma_start3A_617 = tpu.memref_slice %arg4[%add3A_608, %dma_start3A_616] : memref<819200x32xf32, #tpu.memory_space<hbm>> -> memref<1280x32xf32, #tpu.memory_space<hbm>>
    %dma_start3A_618 = arith.constant 0 : i32
    %dma_start3A_619 = arith.constant 0 : i32
    %dma_start3A_620 = tpu.memref_slice %arg6[%dma_start3A_609, %dma_start3A_618, %dma_start3A_619] : memref<2x1280x32xf32, #tpu.memory_space<vmem>> -> memref<1x1280x32xf32, #tpu.memory_space<vmem>>
    %dma_start3A_621 = tpu.memref_squeeze %dma_start3A_620 : memref<1x1280x32xf32, #tpu.memory_space<vmem>> -> memref<1280x32xf32, #tpu.memory_space<vmem>>
    tpu.enqueue_dma source(%dma_start3A_621 : memref<1280x32xf32, #tpu.memory_space<vmem>>) target(%dma_start3A_617 : memref<1280x32xf32, #tpu.memory_space<hbm>>) target_semaphore(%arg9 : memref<!tpu.dma_semaphore, #tpu.memory_space<semaphore_mem>>)
    %dma_wait3A_622 = arith.constant 0 : i32
    %dma_wait3A_623 = arith.constant 0 : i32
    %dma_wait3A_624 = arith.constant 0 : i32
    %dma_wait3A_625 = tpu.memref_slice %arg6[%dma_wait3A_622, %dma_wait3A_623, %dma_wait3A_624] : memref<2x1280x32xf32, #tpu.memory_space<vmem>> -> memref<1x1280x32xf32, #tpu.memory_space<vmem>>
    %dma_wait3A_626 = tpu.memref_squeeze %dma_wait3A_625 : memref<1x1280x32xf32, #tpu.memory_space<vmem>> -> memref<1280x32xf32, #tpu.memory_space<vmem>>
    %dma_wait3A_627 = arith.constant 0 : i32
    %dma_wait3A_628 = tpu.memref_slice %arg4[%add3A_608, %dma_wait3A_627] : memref<819200x32xf32, #tpu.memory_space<hbm>> -> memref<1280x32xf32, #tpu.memory_space<hbm>>
    %dma_wait3A_629 = arith.constant 0 : i32
    %dma_wait3A_630 = tpu.memref_slice %arg4[%add3A_608, %dma_wait3A_629] : memref<819200x32xf32, #tpu.memory_space<hbm>> -> memref<1280x32xf32, #tpu.memory_space<hbm>>
    %dma_wait3A_631 = arith.constant 0 : i32
    %dma_wait3A_632 = arith.constant 0 : i32
    %dma_wait3A_633 = tpu.memref_slice %arg6[%dma_wait3A_622, %dma_wait3A_631, %dma_wait3A_632] : memref<2x1280x32xf32, #tpu.memory_space<vmem>> -> memref<1x1280x32xf32, #tpu.memory_space<vmem>>
    %dma_wait3A_634 = tpu.memref_squeeze %dma_wait3A_633 : memref<1x1280x32xf32, #tpu.memory_space<vmem>> -> memref<1280x32xf32, #tpu.memory_space<vmem>>
    tpu.wait_dma2 semaphore(%arg9 : memref<!tpu.dma_semaphore, #tpu.memory_space<semaphore_mem>>) src(%dma_wait3A_634 : memref<1280x32xf32, #tpu.memory_space<vmem>>) dst(%dma_wait3A_630 : memref<1280x32xf32, #tpu.memory_space<hbm>>)
    %dma_start3A_635 = arith.constant 0 : i32
    %dma_start3A_636 = arith.constant 0 : i32
    %dma_start3A_637 = arith.constant 0 : i32
    %dma_start3A_638 = tpu.memref_slice %arg6[%dma_start3A_635, %dma_start3A_636, %dma_start3A_637] : memref<2x1280x32xf32, #tpu.memory_space<vmem>> -> memref<1x1280x32xf32, #tpu.memory_space<vmem>>
    %dma_start3A_639 = tpu.memref_squeeze %dma_start3A_638 : memref<1x1280x32xf32, #tpu.memory_space<vmem>> -> memref<1280x32xf32, #tpu.memory_space<vmem>>
    %dma_start3A_640 = arith.constant 17920 : i32
    %dma_start3A_641 = tpu.memref_slice %arg5[%dma_start3A_640] : memref<25600xi32, #tpu.memory_space<vmem>> -> memref<1280xi32, #tpu.memory_space<vmem>>
    %dma_start3A_642 = arith.constant 0 : i32
    %dma_start3A_643 = arith.constant 0 : i32
    %dma_start3A_644 = tpu.memref_slice %arg3[%dma_start3A_642, %dma_start3A_643] : memref<1000000x32xf32, #tpu.memory_space<hbm>> -> memref<1000000x32xf32, #tpu.memory_space<hbm>>
    tpu.enqueue_indirect_dma source(%dma_start3A_644 : memref<1000000x32xf32, #tpu.memory_space<hbm>>) target(%dma_start3A_639 : memref<1280x32xf32, #tpu.memory_space<vmem>>) offsets(%dma_start3A_641 : memref<1280xi32, #tpu.memory_space<vmem>>) semaphore(%arg7 : memref<!tpu.dma_semaphore, #tpu.memory_space<semaphore_mem>>)
    %dma_wait3A_645 = arith.constant 1 : i32
    %dma_wait3A_646 = arith.constant 0 : i32
    %dma_wait3A_647 = arith.constant 0 : i32
    %dma_wait3A_648 = tpu.memref_slice %arg6[%dma_wait3A_645, %dma_wait3A_646, %dma_wait3A_647] : memref<2x1280x32xf32, #tpu.memory_space<vmem>> -> memref<1x1280x32xf32, #tpu.memory_space<vmem>>
    %dma_wait3A_649 = tpu.memref_squeeze %dma_wait3A_648 : memref<1x1280x32xf32, #tpu.memory_space<vmem>> -> memref<1280x32xf32, #tpu.memory_space<vmem>>
    %dma_wait3A_650 = arith.constant 16640 : i32
    %dma_wait3A_651 = tpu.memref_slice %arg5[%dma_wait3A_650] : memref<25600xi32, #tpu.memory_space<vmem>> -> memref<1280xi32, #tpu.memory_space<vmem>>
    %dma_wait3A_652 = arith.constant 0 : i32
    %dma_wait3A_653 = arith.constant 0 : i32
    %dma_wait3A_654 = tpu.memref_slice %arg3[%dma_wait3A_652, %dma_wait3A_653] : memref<1000000x32xf32, #tpu.memory_space<hbm>> -> memref<1000000x32xf32, #tpu.memory_space<hbm>>
    tpu.wait_indirect_dma semaphore(%arg8 : memref<!tpu.dma_semaphore, #tpu.memory_space<semaphore_mem>>) src(%dma_wait3A_654 : memref<1000000x32xf32, #tpu.memory_space<hbm>>) dst(%dma_wait3A_649 : memref<1280x32xf32, #tpu.memory_space<vmem>>)
    %add3A_655 = arith.constant 16640 : i32
    %add3A_656 = arith.addi %mul3A_2, %add3A_655 : i32
    %dma_start3A_657 = arith.constant 1 : i32
    %dma_start3A_658 = arith.constant 0 : i32
    %dma_start3A_659 = arith.constant 0 : i32
    %dma_start3A_660 = tpu.memref_slice %arg6[%dma_start3A_657, %dma_start3A_658, %dma_start3A_659] : memref<2x1280x32xf32, #tpu.memory_space<vmem>> -> memref<1x1280x32xf32, #tpu.memory_space<vmem>>
    %dma_start3A_661 = tpu.memref_squeeze %dma_start3A_660 : memref<1x1280x32xf32, #tpu.memory_space<vmem>> -> memref<1280x32xf32, #tpu.memory_space<vmem>>
    %dma_start3A_662 = arith.constant 0 : i32
    %dma_start3A_663 = tpu.memref_slice %arg4[%add3A_656, %dma_start3A_662] : memref<819200x32xf32, #tpu.memory_space<hbm>> -> memref<1280x32xf32, #tpu.memory_space<hbm>>
    %dma_start3A_664 = arith.constant 0 : i32
    %dma_start3A_665 = tpu.memref_slice %arg4[%add3A_656, %dma_start3A_664] : memref<819200x32xf32, #tpu.memory_space<hbm>> -> memref<1280x32xf32, #tpu.memory_space<hbm>>
    %dma_start3A_666 = arith.constant 0 : i32
    %dma_start3A_667 = arith.constant 0 : i32
    %dma_start3A_668 = tpu.memref_slice %arg6[%dma_start3A_657, %dma_start3A_666, %dma_start3A_667] : memref<2x1280x32xf32, #tpu.memory_space<vmem>> -> memref<1x1280x32xf32, #tpu.memory_space<vmem>>
    %dma_start3A_669 = tpu.memref_squeeze %dma_start3A_668 : memref<1x1280x32xf32, #tpu.memory_space<vmem>> -> memref<1280x32xf32, #tpu.memory_space<vmem>>
    tpu.enqueue_dma source(%dma_start3A_669 : memref<1280x32xf32, #tpu.memory_space<vmem>>) target(%dma_start3A_665 : memref<1280x32xf32, #tpu.memory_space<hbm>>) target_semaphore(%arg10 : memref<!tpu.dma_semaphore, #tpu.memory_space<semaphore_mem>>)
    %dma_wait3A_670 = arith.constant 1 : i32
    %dma_wait3A_671 = arith.constant 0 : i32
    %dma_wait3A_672 = arith.constant 0 : i32
    %dma_wait3A_673 = tpu.memref_slice %arg6[%dma_wait3A_670, %dma_wait3A_671, %dma_wait3A_672] : memref<2x1280x32xf32, #tpu.memory_space<vmem>> -> memref<1x1280x32xf32, #tpu.memory_space<vmem>>
    %dma_wait3A_674 = tpu.memref_squeeze %dma_wait3A_673 : memref<1x1280x32xf32, #tpu.memory_space<vmem>> -> memref<1280x32xf32, #tpu.memory_space<vmem>>
    %dma_wait3A_675 = arith.constant 0 : i32
    %dma_wait3A_676 = tpu.memref_slice %arg4[%add3A_656, %dma_wait3A_675] : memref<819200x32xf32, #tpu.memory_space<hbm>> -> memref<1280x32xf32, #tpu.memory_space<hbm>>
    %dma_wait3A_677 = arith.constant 0 : i32
    %dma_wait3A_678 = tpu.memref_slice %arg4[%add3A_656, %dma_wait3A_677] : memref<819200x32xf32, #tpu.memory_space<hbm>> -> memref<1280x32xf32, #tpu.memory_space<hbm>>
    %dma_wait3A_679 = arith.constant 0 : i32
    %dma_wait3A_680 = arith.constant 0 : i32
    %dma_wait3A_681 = tpu.memref_slice %arg6[%dma_wait3A_670, %dma_wait3A_679, %dma_wait3A_680] : memref<2x1280x32xf32, #tpu.memory_space<vmem>> -> memref<1x1280x32xf32, #tpu.memory_space<vmem>>
    %dma_wait3A_682 = tpu.memref_squeeze %dma_wait3A_681 : memref<1x1280x32xf32, #tpu.memory_space<vmem>> -> memref<1280x32xf32, #tpu.memory_space<vmem>>
    tpu.wait_dma2 semaphore(%arg10 : memref<!tpu.dma_semaphore, #tpu.memory_space<semaphore_mem>>) src(%dma_wait3A_682 : memref<1280x32xf32, #tpu.memory_space<vmem>>) dst(%dma_wait3A_678 : memref<1280x32xf32, #tpu.memory_space<hbm>>)
    %dma_start3A_683 = arith.constant 1 : i32
    %dma_start3A_684 = arith.constant 0 : i32
    %dma_start3A_685 = arith.constant 0 : i32
    %dma_start3A_686 = tpu.memref_slice %arg6[%dma_start3A_683, %dma_start3A_684, %dma_start3A_685] : memref<2x1280x32xf32, #tpu.memory_space<vmem>> -> memref<1x1280x32xf32, #tpu.memory_space<vmem>>
    %dma_start3A_687 = tpu.memref_squeeze %dma_start3A_686 : memref<1x1280x32xf32, #tpu.memory_space<vmem>> -> memref<1280x32xf32, #tpu.memory_space<vmem>>
    %dma_start3A_688 = arith.constant 19200 : i32
    %dma_start3A_689 = tpu.memref_slice %arg5[%dma_start3A_688] : memref<25600xi32, #tpu.memory_space<vmem>> -> memref<1280xi32, #tpu.memory_space<vmem>>
    %dma_start3A_690 = arith.constant 0 : i32
    %dma_start3A_691 = arith.constant 0 : i32
    %dma_start3A_692 = tpu.memref_slice %arg3[%dma_start3A_690, %dma_start3A_691] : memref<1000000x32xf32, #tpu.memory_space<hbm>> -> memref<1000000x32xf32, #tpu.memory_space<hbm>>
    tpu.enqueue_indirect_dma source(%dma_start3A_692 : memref<1000000x32xf32, #tpu.memory_space<hbm>>) target(%dma_start3A_687 : memref<1280x32xf32, #tpu.memory_space<vmem>>) offsets(%dma_start3A_689 : memref<1280xi32, #tpu.memory_space<vmem>>) semaphore(%arg8 : memref<!tpu.dma_semaphore, #tpu.memory_space<semaphore_mem>>)
    %dma_wait3A_693 = arith.constant 0 : i32
    %dma_wait3A_694 = arith.constant 0 : i32
    %dma_wait3A_695 = arith.constant 0 : i32
    %dma_wait3A_696 = tpu.memref_slice %arg6[%dma_wait3A_693, %dma_wait3A_694, %dma_wait3A_695] : memref<2x1280x32xf32, #tpu.memory_space<vmem>> -> memref<1x1280x32xf32, #tpu.memory_space<vmem>>
    %dma_wait3A_697 = tpu.memref_squeeze %dma_wait3A_696 : memref<1x1280x32xf32, #tpu.memory_space<vmem>> -> memref<1280x32xf32, #tpu.memory_space<vmem>>
    %dma_wait3A_698 = arith.constant 17920 : i32
    %dma_wait3A_699 = tpu.memref_slice %arg5[%dma_wait3A_698] : memref<25600xi32, #tpu.memory_space<vmem>> -> memref<1280xi32, #tpu.memory_space<vmem>>
    %dma_wait3A_700 = arith.constant 0 : i32
    %dma_wait3A_701 = arith.constant 0 : i32
    %dma_wait3A_702 = tpu.memref_slice %arg3[%dma_wait3A_700, %dma_wait3A_701] : memref<1000000x32xf32, #tpu.memory_space<hbm>> -> memref<1000000x32xf32, #tpu.memory_space<hbm>>
    tpu.wait_indirect_dma semaphore(%arg7 : memref<!tpu.dma_semaphore, #tpu.memory_space<semaphore_mem>>) src(%dma_wait3A_702 : memref<1000000x32xf32, #tpu.memory_space<hbm>>) dst(%dma_wait3A_697 : memref<1280x32xf32, #tpu.memory_space<vmem>>)
    %add3A_703 = arith.constant 17920 : i32
    %add3A_704 = arith.addi %mul3A_2, %add3A_703 : i32
    %dma_start3A_705 = arith.constant 0 : i32
    %dma_start3A_706 = arith.constant 0 : i32
    %dma_start3A_707 = arith.constant 0 : i32
    %dma_start3A_708 = tpu.memref_slice %arg6[%dma_start3A_705, %dma_start3A_706, %dma_start3A_707] : memref<2x1280x32xf32, #tpu.memory_space<vmem>> -> memref<1x1280x32xf32, #tpu.memory_space<vmem>>
    %dma_start3A_709 = tpu.memref_squeeze %dma_start3A_708 : memref<1x1280x32xf32, #tpu.memory_space<vmem>> -> memref<1280x32xf32, #tpu.memory_space<vmem>>
    %dma_start3A_710 = arith.constant 0 : i32
    %dma_start3A_711 = tpu.memref_slice %arg4[%add3A_704, %dma_start3A_710] : memref<819200x32xf32, #tpu.memory_space<hbm>> -> memref<1280x32xf32, #tpu.memory_space<hbm>>
    %dma_start3A_712 = arith.constant 0 : i32
    %dma_start3A_713 = tpu.memref_slice %arg4[%add3A_704, %dma_start3A_712] : memref<819200x32xf32, #tpu.memory_space<hbm>> -> memref<1280x32xf32, #tpu.memory_space<hbm>>
    %dma_start3A_714 = arith.constant 0 : i32
    %dma_start3A_715 = arith.constant 0 : i32
    %dma_start3A_716 = tpu.memref_slice %arg6[%dma_start3A_705, %dma_start3A_714, %dma_start3A_715] : memref<2x1280x32xf32, #tpu.memory_space<vmem>> -> memref<1x1280x32xf32, #tpu.memory_space<vmem>>
    %dma_start3A_717 = tpu.memref_squeeze %dma_start3A_716 : memref<1x1280x32xf32, #tpu.memory_space<vmem>> -> memref<1280x32xf32, #tpu.memory_space<vmem>>
    tpu.enqueue_dma source(%dma_start3A_717 : memref<1280x32xf32, #tpu.memory_space<vmem>>) target(%dma_start3A_713 : memref<1280x32xf32, #tpu.memory_space<hbm>>) target_semaphore(%arg9 : memref<!tpu.dma_semaphore, #tpu.memory_space<semaphore_mem>>)
    %dma_wait3A_718 = arith.constant 0 : i32
    %dma_wait3A_719 = arith.constant 0 : i32
    %dma_wait3A_720 = arith.constant 0 : i32
    %dma_wait3A_721 = tpu.memref_slice %arg6[%dma_wait3A_718, %dma_wait3A_719, %dma_wait3A_720] : memref<2x1280x32xf32, #tpu.memory_space<vmem>> -> memref<1x1280x32xf32, #tpu.memory_space<vmem>>
    %dma_wait3A_722 = tpu.memref_squeeze %dma_wait3A_721 : memref<1x1280x32xf32, #tpu.memory_space<vmem>> -> memref<1280x32xf32, #tpu.memory_space<vmem>>
    %dma_wait3A_723 = arith.constant 0 : i32
    %dma_wait3A_724 = tpu.memref_slice %arg4[%add3A_704, %dma_wait3A_723] : memref<819200x32xf32, #tpu.memory_space<hbm>> -> memref<1280x32xf32, #tpu.memory_space<hbm>>
    %dma_wait3A_725 = arith.constant 0 : i32
    %dma_wait3A_726 = tpu.memref_slice %arg4[%add3A_704, %dma_wait3A_725] : memref<819200x32xf32, #tpu.memory_space<hbm>> -> memref<1280x32xf32, #tpu.memory_space<hbm>>
    %dma_wait3A_727 = arith.constant 0 : i32
    %dma_wait3A_728 = arith.constant 0 : i32
    %dma_wait3A_729 = tpu.memref_slice %arg6[%dma_wait3A_718, %dma_wait3A_727, %dma_wait3A_728] : memref<2x1280x32xf32, #tpu.memory_space<vmem>> -> memref<1x1280x32xf32, #tpu.memory_space<vmem>>
    %dma_wait3A_730 = tpu.memref_squeeze %dma_wait3A_729 : memref<1x1280x32xf32, #tpu.memory_space<vmem>> -> memref<1280x32xf32, #tpu.memory_space<vmem>>
    tpu.wait_dma2 semaphore(%arg9 : memref<!tpu.dma_semaphore, #tpu.memory_space<semaphore_mem>>) src(%dma_wait3A_730 : memref<1280x32xf32, #tpu.memory_space<vmem>>) dst(%dma_wait3A_726 : memref<1280x32xf32, #tpu.memory_space<hbm>>)
    %dma_start3A_731 = arith.constant 0 : i32
    %dma_start3A_732 = arith.constant 0 : i32
    %dma_start3A_733 = arith.constant 0 : i32
    %dma_start3A_734 = tpu.memref_slice %arg6[%dma_start3A_731, %dma_start3A_732, %dma_start3A_733] : memref<2x1280x32xf32, #tpu.memory_space<vmem>> -> memref<1x1280x32xf32, #tpu.memory_space<vmem>>
    %dma_start3A_735 = tpu.memref_squeeze %dma_start3A_734 : memref<1x1280x32xf32, #tpu.memory_space<vmem>> -> memref<1280x32xf32, #tpu.memory_space<vmem>>
    %dma_start3A_736 = arith.constant 20480 : i32
    %dma_start3A_737 = tpu.memref_slice %arg5[%dma_start3A_736] : memref<25600xi32, #tpu.memory_space<vmem>> -> memref<1280xi32, #tpu.memory_space<vmem>>
    %dma_start3A_738 = arith.constant 0 : i32
    %dma_start3A_739 = arith.constant 0 : i32
    %dma_start3A_740 = tpu.memref_slice %arg3[%dma_start3A_738, %dma_start3A_739] : memref<1000000x32xf32, #tpu.memory_space<hbm>> -> memref<1000000x32xf32, #tpu.memory_space<hbm>>
    tpu.enqueue_indirect_dma source(%dma_start3A_740 : memref<1000000x32xf32, #tpu.memory_space<hbm>>) target(%dma_start3A_735 : memref<1280x32xf32, #tpu.memory_space<vmem>>) offsets(%dma_start3A_737 : memref<1280xi32, #tpu.memory_space<vmem>>) semaphore(%arg7 : memref<!tpu.dma_semaphore, #tpu.memory_space<semaphore_mem>>)
    %dma_wait3A_741 = arith.constant 1 : i32
    %dma_wait3A_742 = arith.constant 0 : i32
    %dma_wait3A_743 = arith.constant 0 : i32
    %dma_wait3A_744 = tpu.memref_slice %arg6[%dma_wait3A_741, %dma_wait3A_742, %dma_wait3A_743] : memref<2x1280x32xf32, #tpu.memory_space<vmem>> -> memref<1x1280x32xf32, #tpu.memory_space<vmem>>
    %dma_wait3A_745 = tpu.memref_squeeze %dma_wait3A_744 : memref<1x1280x32xf32, #tpu.memory_space<vmem>> -> memref<1280x32xf32, #tpu.memory_space<vmem>>
    %dma_wait3A_746 = arith.constant 19200 : i32
    %dma_wait3A_747 = tpu.memref_slice %arg5[%dma_wait3A_746] : memref<25600xi32, #tpu.memory_space<vmem>> -> memref<1280xi32, #tpu.memory_space<vmem>>
    %dma_wait3A_748 = arith.constant 0 : i32
    %dma_wait3A_749 = arith.constant 0 : i32
    %dma_wait3A_750 = tpu.memref_slice %arg3[%dma_wait3A_748, %dma_wait3A_749] : memref<1000000x32xf32, #tpu.memory_space<hbm>> -> memref<1000000x32xf32, #tpu.memory_space<hbm>>
    tpu.wait_indirect_dma semaphore(%arg8 : memref<!tpu.dma_semaphore, #tpu.memory_space<semaphore_mem>>) src(%dma_wait3A_750 : memref<1000000x32xf32, #tpu.memory_space<hbm>>) dst(%dma_wait3A_745 : memref<1280x32xf32, #tpu.memory_space<vmem>>)
    %add3A_751 = arith.constant 19200 : i32
    %add3A_752 = arith.addi %mul3A_2, %add3A_751 : i32
    %dma_start3A_753 = arith.constant 1 : i32
    %dma_start3A_754 = arith.constant 0 : i32
    %dma_start3A_755 = arith.constant 0 : i32
    %dma_start3A_756 = tpu.memref_slice %arg6[%dma_start3A_753, %dma_start3A_754, %dma_start3A_755] : memref<2x1280x32xf32, #tpu.memory_space<vmem>> -> memref<1x1280x32xf32, #tpu.memory_space<vmem>>
    %dma_start3A_757 = tpu.memref_squeeze %dma_start3A_756 : memref<1x1280x32xf32, #tpu.memory_space<vmem>> -> memref<1280x32xf32, #tpu.memory_space<vmem>>
    %dma_start3A_758 = arith.constant 0 : i32
    %dma_start3A_759 = tpu.memref_slice %arg4[%add3A_752, %dma_start3A_758] : memref<819200x32xf32, #tpu.memory_space<hbm>> -> memref<1280x32xf32, #tpu.memory_space<hbm>>
    %dma_start3A_760 = arith.constant 0 : i32
    %dma_start3A_761 = tpu.memref_slice %arg4[%add3A_752, %dma_start3A_760] : memref<819200x32xf32, #tpu.memory_space<hbm>> -> memref<1280x32xf32, #tpu.memory_space<hbm>>
    %dma_start3A_762 = arith.constant 0 : i32
    %dma_start3A_763 = arith.constant 0 : i32
    %dma_start3A_764 = tpu.memref_slice %arg6[%dma_start3A_753, %dma_start3A_762, %dma_start3A_763] : memref<2x1280x32xf32, #tpu.memory_space<vmem>> -> memref<1x1280x32xf32, #tpu.memory_space<vmem>>
    %dma_start3A_765 = tpu.memref_squeeze %dma_start3A_764 : memref<1x1280x32xf32, #tpu.memory_space<vmem>> -> memref<1280x32xf32, #tpu.memory_space<vmem>>
    tpu.enqueue_dma source(%dma_start3A_765 : memref<1280x32xf32, #tpu.memory_space<vmem>>) target(%dma_start3A_761 : memref<1280x32xf32, #tpu.memory_space<hbm>>) target_semaphore(%arg10 : memref<!tpu.dma_semaphore, #tpu.memory_space<semaphore_mem>>)
    %dma_wait3A_766 = arith.constant 1 : i32
    %dma_wait3A_767 = arith.constant 0 : i32
    %dma_wait3A_768 = arith.constant 0 : i32
    %dma_wait3A_769 = tpu.memref_slice %arg6[%dma_wait3A_766, %dma_wait3A_767, %dma_wait3A_768] : memref<2x1280x32xf32, #tpu.memory_space<vmem>> -> memref<1x1280x32xf32, #tpu.memory_space<vmem>>
    %dma_wait3A_770 = tpu.memref_squeeze %dma_wait3A_769 : memref<1x1280x32xf32, #tpu.memory_space<vmem>> -> memref<1280x32xf32, #tpu.memory_space<vmem>>
    %dma_wait3A_771 = arith.constant 0 : i32
    %dma_wait3A_772 = tpu.memref_slice %arg4[%add3A_752, %dma_wait3A_771] : memref<819200x32xf32, #tpu.memory_space<hbm>> -> memref<1280x32xf32, #tpu.memory_space<hbm>>
    %dma_wait3A_773 = arith.constant 0 : i32
    %dma_wait3A_774 = tpu.memref_slice %arg4[%add3A_752, %dma_wait3A_773] : memref<819200x32xf32, #tpu.memory_space<hbm>> -> memref<1280x32xf32, #tpu.memory_space<hbm>>
    %dma_wait3A_775 = arith.constant 0 : i32
    %dma_wait3A_776 = arith.constant 0 : i32
    %dma_wait3A_777 = tpu.memref_slice %arg6[%dma_wait3A_766, %dma_wait3A_775, %dma_wait3A_776] : memref<2x1280x32xf32, #tpu.memory_space<vmem>> -> memref<1x1280x32xf32, #tpu.memory_space<vmem>>
    %dma_wait3A_778 = tpu.memref_squeeze %dma_wait3A_777 : memref<1x1280x32xf32, #tpu.memory_space<vmem>> -> memref<1280x32xf32, #tpu.memory_space<vmem>>
    tpu.wait_dma2 semaphore(%arg10 : memref<!tpu.dma_semaphore, #tpu.memory_space<semaphore_mem>>) src(%dma_wait3A_778 : memref<1280x32xf32, #tpu.memory_space<vmem>>) dst(%dma_wait3A_774 : memref<1280x32xf32, #tpu.memory_space<hbm>>)
    %dma_start3A_779 = arith.constant 1 : i32
    %dma_start3A_780 = arith.constant 0 : i32
    %dma_start3A_781 = arith.constant 0 : i32
    %dma_start3A_782 = tpu.memref_slice %arg6[%dma_start3A_779, %dma_start3A_780, %dma_start3A_781] : memref<2x1280x32xf32, #tpu.memory_space<vmem>> -> memref<1x1280x32xf32, #tpu.memory_space<vmem>>
    %dma_start3A_783 = tpu.memref_squeeze %dma_start3A_782 : memref<1x1280x32xf32, #tpu.memory_space<vmem>> -> memref<1280x32xf32, #tpu.memory_space<vmem>>
    %dma_start3A_784 = arith.constant 21760 : i32
    %dma_start3A_785 = tpu.memref_slice %arg5[%dma_start3A_784] : memref<25600xi32, #tpu.memory_space<vmem>> -> memref<1280xi32, #tpu.memory_space<vmem>>
    %dma_start3A_786 = arith.constant 0 : i32
    %dma_start3A_787 = arith.constant 0 : i32
    %dma_start3A_788 = tpu.memref_slice %arg3[%dma_start3A_786, %dma_start3A_787] : memref<1000000x32xf32, #tpu.memory_space<hbm>> -> memref<1000000x32xf32, #tpu.memory_space<hbm>>
    tpu.enqueue_indirect_dma source(%dma_start3A_788 : memref<1000000x32xf32, #tpu.memory_space<hbm>>) target(%dma_start3A_783 : memref<1280x32xf32, #tpu.memory_space<vmem>>) offsets(%dma_start3A_785 : memref<1280xi32, #tpu.memory_space<vmem>>) semaphore(%arg8 : memref<!tpu.dma_semaphore, #tpu.memory_space<semaphore_mem>>)
    %dma_wait3A_789 = arith.constant 0 : i32
    %dma_wait3A_790 = arith.constant 0 : i32
    %dma_wait3A_791 = arith.constant 0 : i32
    %dma_wait3A_792 = tpu.memref_slice %arg6[%dma_wait3A_789, %dma_wait3A_790, %dma_wait3A_791] : memref<2x1280x32xf32, #tpu.memory_space<vmem>> -> memref<1x1280x32xf32, #tpu.memory_space<vmem>>
    %dma_wait3A_793 = tpu.memref_squeeze %dma_wait3A_792 : memref<1x1280x32xf32, #tpu.memory_space<vmem>> -> memref<1280x32xf32, #tpu.memory_space<vmem>>
    %dma_wait3A_794 = arith.constant 20480 : i32
    %dma_wait3A_795 = tpu.memref_slice %arg5[%dma_wait3A_794] : memref<25600xi32, #tpu.memory_space<vmem>> -> memref<1280xi32, #tpu.memory_space<vmem>>
    %dma_wait3A_796 = arith.constant 0 : i32
    %dma_wait3A_797 = arith.constant 0 : i32
    %dma_wait3A_798 = tpu.memref_slice %arg3[%dma_wait3A_796, %dma_wait3A_797] : memref<1000000x32xf32, #tpu.memory_space<hbm>> -> memref<1000000x32xf32, #tpu.memory_space<hbm>>
    tpu.wait_indirect_dma semaphore(%arg7 : memref<!tpu.dma_semaphore, #tpu.memory_space<semaphore_mem>>) src(%dma_wait3A_798 : memref<1000000x32xf32, #tpu.memory_space<hbm>>) dst(%dma_wait3A_793 : memref<1280x32xf32, #tpu.memory_space<vmem>>)
    %add3A_799 = arith.constant 20480 : i32
    %add3A_800 = arith.addi %mul3A_2, %add3A_799 : i32
    %dma_start3A_801 = arith.constant 0 : i32
    %dma_start3A_802 = arith.constant 0 : i32
    %dma_start3A_803 = arith.constant 0 : i32
    %dma_start3A_804 = tpu.memref_slice %arg6[%dma_start3A_801, %dma_start3A_802, %dma_start3A_803] : memref<2x1280x32xf32, #tpu.memory_space<vmem>> -> memref<1x1280x32xf32, #tpu.memory_space<vmem>>
    %dma_start3A_805 = tpu.memref_squeeze %dma_start3A_804 : memref<1x1280x32xf32, #tpu.memory_space<vmem>> -> memref<1280x32xf32, #tpu.memory_space<vmem>>
    %dma_start3A_806 = arith.constant 0 : i32
    %dma_start3A_807 = tpu.memref_slice %arg4[%add3A_800, %dma_start3A_806] : memref<819200x32xf32, #tpu.memory_space<hbm>> -> memref<1280x32xf32, #tpu.memory_space<hbm>>
    %dma_start3A_808 = arith.constant 0 : i32
    %dma_start3A_809 = tpu.memref_slice %arg4[%add3A_800, %dma_start3A_808] : memref<819200x32xf32, #tpu.memory_space<hbm>> -> memref<1280x32xf32, #tpu.memory_space<hbm>>
    %dma_start3A_810 = arith.constant 0 : i32
    %dma_start3A_811 = arith.constant 0 : i32
    %dma_start3A_812 = tpu.memref_slice %arg6[%dma_start3A_801, %dma_start3A_810, %dma_start3A_811] : memref<2x1280x32xf32, #tpu.memory_space<vmem>> -> memref<1x1280x32xf32, #tpu.memory_space<vmem>>
    %dma_start3A_813 = tpu.memref_squeeze %dma_start3A_812 : memref<1x1280x32xf32, #tpu.memory_space<vmem>> -> memref<1280x32xf32, #tpu.memory_space<vmem>>
    tpu.enqueue_dma source(%dma_start3A_813 : memref<1280x32xf32, #tpu.memory_space<vmem>>) target(%dma_start3A_809 : memref<1280x32xf32, #tpu.memory_space<hbm>>) target_semaphore(%arg9 : memref<!tpu.dma_semaphore, #tpu.memory_space<semaphore_mem>>)
    %dma_wait3A_814 = arith.constant 0 : i32
    %dma_wait3A_815 = arith.constant 0 : i32
    %dma_wait3A_816 = arith.constant 0 : i32
    %dma_wait3A_817 = tpu.memref_slice %arg6[%dma_wait3A_814, %dma_wait3A_815, %dma_wait3A_816] : memref<2x1280x32xf32, #tpu.memory_space<vmem>> -> memref<1x1280x32xf32, #tpu.memory_space<vmem>>
    %dma_wait3A_818 = tpu.memref_squeeze %dma_wait3A_817 : memref<1x1280x32xf32, #tpu.memory_space<vmem>> -> memref<1280x32xf32, #tpu.memory_space<vmem>>
    %dma_wait3A_819 = arith.constant 0 : i32
    %dma_wait3A_820 = tpu.memref_slice %arg4[%add3A_800, %dma_wait3A_819] : memref<819200x32xf32, #tpu.memory_space<hbm>> -> memref<1280x32xf32, #tpu.memory_space<hbm>>
    %dma_wait3A_821 = arith.constant 0 : i32
    %dma_wait3A_822 = tpu.memref_slice %arg4[%add3A_800, %dma_wait3A_821] : memref<819200x32xf32, #tpu.memory_space<hbm>> -> memref<1280x32xf32, #tpu.memory_space<hbm>>
    %dma_wait3A_823 = arith.constant 0 : i32
    %dma_wait3A_824 = arith.constant 0 : i32
    %dma_wait3A_825 = tpu.memref_slice %arg6[%dma_wait3A_814, %dma_wait3A_823, %dma_wait3A_824] : memref<2x1280x32xf32, #tpu.memory_space<vmem>> -> memref<1x1280x32xf32, #tpu.memory_space<vmem>>
    %dma_wait3A_826 = tpu.memref_squeeze %dma_wait3A_825 : memref<1x1280x32xf32, #tpu.memory_space<vmem>> -> memref<1280x32xf32, #tpu.memory_space<vmem>>
    tpu.wait_dma2 semaphore(%arg9 : memref<!tpu.dma_semaphore, #tpu.memory_space<semaphore_mem>>) src(%dma_wait3A_826 : memref<1280x32xf32, #tpu.memory_space<vmem>>) dst(%dma_wait3A_822 : memref<1280x32xf32, #tpu.memory_space<hbm>>)
    %dma_start3A_827 = arith.constant 0 : i32
    %dma_start3A_828 = arith.constant 0 : i32
    %dma_start3A_829 = arith.constant 0 : i32
    %dma_start3A_830 = tpu.memref_slice %arg6[%dma_start3A_827, %dma_start3A_828, %dma_start3A_829] : memref<2x1280x32xf32, #tpu.memory_space<vmem>> -> memref<1x1280x32xf32, #tpu.memory_space<vmem>>
    %dma_start3A_831 = tpu.memref_squeeze %dma_start3A_830 : memref<1x1280x32xf32, #tpu.memory_space<vmem>> -> memref<1280x32xf32, #tpu.memory_space<vmem>>
    %dma_start3A_832 = arith.constant 23040 : i32
    %dma_start3A_833 = tpu.memref_slice %arg5[%dma_start3A_832] : memref<25600xi32, #tpu.memory_space<vmem>> -> memref<1280xi32, #tpu.memory_space<vmem>>
    %dma_start3A_834 = arith.constant 0 : i32
    %dma_start3A_835 = arith.constant 0 : i32
    %dma_start3A_836 = tpu.memref_slice %arg3[%dma_start3A_834, %dma_start3A_835] : memref<1000000x32xf32, #tpu.memory_space<hbm>> -> memref<1000000x32xf32, #tpu.memory_space<hbm>>
    tpu.enqueue_indirect_dma source(%dma_start3A_836 : memref<1000000x32xf32, #tpu.memory_space<hbm>>) target(%dma_start3A_831 : memref<1280x32xf32, #tpu.memory_space<vmem>>) offsets(%dma_start3A_833 : memref<1280xi32, #tpu.memory_space<vmem>>) semaphore(%arg7 : memref<!tpu.dma_semaphore, #tpu.memory_space<semaphore_mem>>)
    %dma_wait3A_837 = arith.constant 1 : i32
    %dma_wait3A_838 = arith.constant 0 : i32
    %dma_wait3A_839 = arith.constant 0 : i32
    %dma_wait3A_840 = tpu.memref_slice %arg6[%dma_wait3A_837, %dma_wait3A_838, %dma_wait3A_839] : memref<2x1280x32xf32, #tpu.memory_space<vmem>> -> memref<1x1280x32xf32, #tpu.memory_space<vmem>>
    %dma_wait3A_841 = tpu.memref_squeeze %dma_wait3A_840 : memref<1x1280x32xf32, #tpu.memory_space<vmem>> -> memref<1280x32xf32, #tpu.memory_space<vmem>>
    %dma_wait3A_842 = arith.constant 21760 : i32
    %dma_wait3A_843 = tpu.memref_slice %arg5[%dma_wait3A_842] : memref<25600xi32, #tpu.memory_space<vmem>> -> memref<1280xi32, #tpu.memory_space<vmem>>
    %dma_wait3A_844 = arith.constant 0 : i32
    %dma_wait3A_845 = arith.constant 0 : i32
    %dma_wait3A_846 = tpu.memref_slice %arg3[%dma_wait3A_844, %dma_wait3A_845] : memref<1000000x32xf32, #tpu.memory_space<hbm>> -> memref<1000000x32xf32, #tpu.memory_space<hbm>>
    tpu.wait_indirect_dma semaphore(%arg8 : memref<!tpu.dma_semaphore, #tpu.memory_space<semaphore_mem>>) src(%dma_wait3A_846 : memref<1000000x32xf32, #tpu.memory_space<hbm>>) dst(%dma_wait3A_841 : memref<1280x32xf32, #tpu.memory_space<vmem>>)
    %add3A_847 = arith.constant 21760 : i32
    %add3A_848 = arith.addi %mul3A_2, %add3A_847 : i32
    %dma_start3A_849 = arith.constant 1 : i32
    %dma_start3A_850 = arith.constant 0 : i32
    %dma_start3A_851 = arith.constant 0 : i32
    %dma_start3A_852 = tpu.memref_slice %arg6[%dma_start3A_849, %dma_start3A_850, %dma_start3A_851] : memref<2x1280x32xf32, #tpu.memory_space<vmem>> -> memref<1x1280x32xf32, #tpu.memory_space<vmem>>
    %dma_start3A_853 = tpu.memref_squeeze %dma_start3A_852 : memref<1x1280x32xf32, #tpu.memory_space<vmem>> -> memref<1280x32xf32, #tpu.memory_space<vmem>>
    %dma_start3A_854 = arith.constant 0 : i32
    %dma_start3A_855 = tpu.memref_slice %arg4[%add3A_848, %dma_start3A_854] : memref<819200x32xf32, #tpu.memory_space<hbm>> -> memref<1280x32xf32, #tpu.memory_space<hbm>>
    %dma_start3A_856 = arith.constant 0 : i32
    %dma_start3A_857 = tpu.memref_slice %arg4[%add3A_848, %dma_start3A_856] : memref<819200x32xf32, #tpu.memory_space<hbm>> -> memref<1280x32xf32, #tpu.memory_space<hbm>>
    %dma_start3A_858 = arith.constant 0 : i32
    %dma_start3A_859 = arith.constant 0 : i32
    %dma_start3A_860 = tpu.memref_slice %arg6[%dma_start3A_849, %dma_start3A_858, %dma_start3A_859] : memref<2x1280x32xf32, #tpu.memory_space<vmem>> -> memref<1x1280x32xf32, #tpu.memory_space<vmem>>
    %dma_start3A_861 = tpu.memref_squeeze %dma_start3A_860 : memref<1x1280x32xf32, #tpu.memory_space<vmem>> -> memref<1280x32xf32, #tpu.memory_space<vmem>>
    tpu.enqueue_dma source(%dma_start3A_861 : memref<1280x32xf32, #tpu.memory_space<vmem>>) target(%dma_start3A_857 : memref<1280x32xf32, #tpu.memory_space<hbm>>) target_semaphore(%arg10 : memref<!tpu.dma_semaphore, #tpu.memory_space<semaphore_mem>>)
    %dma_wait3A_862 = arith.constant 1 : i32
    %dma_wait3A_863 = arith.constant 0 : i32
    %dma_wait3A_864 = arith.constant 0 : i32
    %dma_wait3A_865 = tpu.memref_slice %arg6[%dma_wait3A_862, %dma_wait3A_863, %dma_wait3A_864] : memref<2x1280x32xf32, #tpu.memory_space<vmem>> -> memref<1x1280x32xf32, #tpu.memory_space<vmem>>
    %dma_wait3A_866 = tpu.memref_squeeze %dma_wait3A_865 : memref<1x1280x32xf32, #tpu.memory_space<vmem>> -> memref<1280x32xf32, #tpu.memory_space<vmem>>
    %dma_wait3A_867 = arith.constant 0 : i32
    %dma_wait3A_868 = tpu.memref_slice %arg4[%add3A_848, %dma_wait3A_867] : memref<819200x32xf32, #tpu.memory_space<hbm>> -> memref<1280x32xf32, #tpu.memory_space<hbm>>
    %dma_wait3A_869 = arith.constant 0 : i32
    %dma_wait3A_870 = tpu.memref_slice %arg4[%add3A_848, %dma_wait3A_869] : memref<819200x32xf32, #tpu.memory_space<hbm>> -> memref<1280x32xf32, #tpu.memory_space<hbm>>
    %dma_wait3A_871 = arith.constant 0 : i32
    %dma_wait3A_872 = arith.constant 0 : i32
    %dma_wait3A_873 = tpu.memref_slice %arg6[%dma_wait3A_862, %dma_wait3A_871, %dma_wait3A_872] : memref<2x1280x32xf32, #tpu.memory_space<vmem>> -> memref<1x1280x32xf32, #tpu.memory_space<vmem>>
    %dma_wait3A_874 = tpu.memref_squeeze %dma_wait3A_873 : memref<1x1280x32xf32, #tpu.memory_space<vmem>> -> memref<1280x32xf32, #tpu.memory_space<vmem>>
    tpu.wait_dma2 semaphore(%arg10 : memref<!tpu.dma_semaphore, #tpu.memory_space<semaphore_mem>>) src(%dma_wait3A_874 : memref<1280x32xf32, #tpu.memory_space<vmem>>) dst(%dma_wait3A_870 : memref<1280x32xf32, #tpu.memory_space<hbm>>)
    %dma_start3A_875 = arith.constant 1 : i32
    %dma_start3A_876 = arith.constant 0 : i32
    %dma_start3A_877 = arith.constant 0 : i32
    %dma_start3A_878 = tpu.memref_slice %arg6[%dma_start3A_875, %dma_start3A_876, %dma_start3A_877] : memref<2x1280x32xf32, #tpu.memory_space<vmem>> -> memref<1x1280x32xf32, #tpu.memory_space<vmem>>
    %dma_start3A_879 = tpu.memref_squeeze %dma_start3A_878 : memref<1x1280x32xf32, #tpu.memory_space<vmem>> -> memref<1280x32xf32, #tpu.memory_space<vmem>>
    %dma_start3A_880 = arith.constant 24320 : i32
    %dma_start3A_881 = tpu.memref_slice %arg5[%dma_start3A_880] : memref<25600xi32, #tpu.memory_space<vmem>> -> memref<1280xi32, #tpu.memory_space<vmem>>
    %dma_start3A_882 = arith.constant 0 : i32
    %dma_start3A_883 = arith.constant 0 : i32
    %dma_start3A_884 = tpu.memref_slice %arg3[%dma_start3A_882, %dma_start3A_883] : memref<1000000x32xf32, #tpu.memory_space<hbm>> -> memref<1000000x32xf32, #tpu.memory_space<hbm>>
    tpu.enqueue_indirect_dma source(%dma_start3A_884 : memref<1000000x32xf32, #tpu.memory_space<hbm>>) target(%dma_start3A_879 : memref<1280x32xf32, #tpu.memory_space<vmem>>) offsets(%dma_start3A_881 : memref<1280xi32, #tpu.memory_space<vmem>>) semaphore(%arg8 : memref<!tpu.dma_semaphore, #tpu.memory_space<semaphore_mem>>)
    %dma_wait3A_885 = arith.constant 0 : i32
    %dma_wait3A_886 = arith.constant 0 : i32
    %dma_wait3A_887 = arith.constant 0 : i32
    %dma_wait3A_888 = tpu.memref_slice %arg6[%dma_wait3A_885, %dma_wait3A_886, %dma_wait3A_887] : memref<2x1280x32xf32, #tpu.memory_space<vmem>> -> memref<1x1280x32xf32, #tpu.memory_space<vmem>>
    %dma_wait3A_889 = tpu.memref_squeeze %dma_wait3A_888 : memref<1x1280x32xf32, #tpu.memory_space<vmem>> -> memref<1280x32xf32, #tpu.memory_space<vmem>>
    %dma_wait3A_890 = arith.constant 23040 : i32
    %dma_wait3A_891 = tpu.memref_slice %arg5[%dma_wait3A_890] : memref<25600xi32, #tpu.memory_space<vmem>> -> memref<1280xi32, #tpu.memory_space<vmem>>
    %dma_wait3A_892 = arith.constant 0 : i32
    %dma_wait3A_893 = arith.constant 0 : i32
    %dma_wait3A_894 = tpu.memref_slice %arg3[%dma_wait3A_892, %dma_wait3A_893] : memref<1000000x32xf32, #tpu.memory_space<hbm>> -> memref<1000000x32xf32, #tpu.memory_space<hbm>>
    tpu.wait_indirect_dma semaphore(%arg7 : memref<!tpu.dma_semaphore, #tpu.memory_space<semaphore_mem>>) src(%dma_wait3A_894 : memref<1000000x32xf32, #tpu.memory_space<hbm>>) dst(%dma_wait3A_889 : memref<1280x32xf32, #tpu.memory_space<vmem>>)
    %add3A_895 = arith.constant 23040 : i32
    %add3A_896 = arith.addi %mul3A_2, %add3A_895 : i32
    %dma_start3A_897 = arith.constant 0 : i32
    %dma_start3A_898 = arith.constant 0 : i32
    %dma_start3A_899 = arith.constant 0 : i32
    %dma_start3A_900 = tpu.memref_slice %arg6[%dma_start3A_897, %dma_start3A_898, %dma_start3A_899] : memref<2x1280x32xf32, #tpu.memory_space<vmem>> -> memref<1x1280x32xf32, #tpu.memory_space<vmem>>
    %dma_start3A_901 = tpu.memref_squeeze %dma_start3A_900 : memref<1x1280x32xf32, #tpu.memory_space<vmem>> -> memref<1280x32xf32, #tpu.memory_space<vmem>>
    %dma_start3A_902 = arith.constant 0 : i32
    %dma_start3A_903 = tpu.memref_slice %arg4[%add3A_896, %dma_start3A_902] : memref<819200x32xf32, #tpu.memory_space<hbm>> -> memref<1280x32xf32, #tpu.memory_space<hbm>>
    %dma_start3A_904 = arith.constant 0 : i32
    %dma_start3A_905 = tpu.memref_slice %arg4[%add3A_896, %dma_start3A_904] : memref<819200x32xf32, #tpu.memory_space<hbm>> -> memref<1280x32xf32, #tpu.memory_space<hbm>>
    %dma_start3A_906 = arith.constant 0 : i32
    %dma_start3A_907 = arith.constant 0 : i32
    %dma_start3A_908 = tpu.memref_slice %arg6[%dma_start3A_897, %dma_start3A_906, %dma_start3A_907] : memref<2x1280x32xf32, #tpu.memory_space<vmem>> -> memref<1x1280x32xf32, #tpu.memory_space<vmem>>
    %dma_start3A_909 = tpu.memref_squeeze %dma_start3A_908 : memref<1x1280x32xf32, #tpu.memory_space<vmem>> -> memref<1280x32xf32, #tpu.memory_space<vmem>>
    tpu.enqueue_dma source(%dma_start3A_909 : memref<1280x32xf32, #tpu.memory_space<vmem>>) target(%dma_start3A_905 : memref<1280x32xf32, #tpu.memory_space<hbm>>) target_semaphore(%arg9 : memref<!tpu.dma_semaphore, #tpu.memory_space<semaphore_mem>>)
    %dma_wait3A_910 = arith.constant 1 : i32
    %dma_wait3A_911 = arith.constant 0 : i32
    %dma_wait3A_912 = arith.constant 0 : i32
    %dma_wait3A_913 = tpu.memref_slice %arg6[%dma_wait3A_910, %dma_wait3A_911, %dma_wait3A_912] : memref<2x1280x32xf32, #tpu.memory_space<vmem>> -> memref<1x1280x32xf32, #tpu.memory_space<vmem>>
    %dma_wait3A_914 = tpu.memref_squeeze %dma_wait3A_913 : memref<1x1280x32xf32, #tpu.memory_space<vmem>> -> memref<1280x32xf32, #tpu.memory_space<vmem>>
    %dma_wait3A_915 = arith.constant 24320 : i32
    %dma_wait3A_916 = tpu.memref_slice %arg5[%dma_wait3A_915] : memref<25600xi32, #tpu.memory_space<vmem>> -> memref<1280xi32, #tpu.memory_space<vmem>>
    %dma_wait3A_917 = arith.constant 0 : i32
    %dma_wait3A_918 = arith.constant 0 : i32
    %dma_wait3A_919 = tpu.memref_slice %arg3[%dma_wait3A_917, %dma_wait3A_918] : memref<1000000x32xf32, #tpu.memory_space<hbm>> -> memref<1000000x32xf32, #tpu.memory_space<hbm>>
    tpu.wait_indirect_dma semaphore(%arg8 : memref<!tpu.dma_semaphore, #tpu.memory_space<semaphore_mem>>) src(%dma_wait3A_919 : memref<1000000x32xf32, #tpu.memory_space<hbm>>) dst(%dma_wait3A_914 : memref<1280x32xf32, #tpu.memory_space<vmem>>)
    %add3A_920 = arith.constant 24320 : i32
    %add3A_921 = arith.addi %mul3A_2, %add3A_920 : i32
    %dma_start3A_922 = arith.constant 1 : i32
    %dma_start3A_923 = arith.constant 0 : i32
    %dma_start3A_924 = arith.constant 0 : i32
    %dma_start3A_925 = tpu.memref_slice %arg6[%dma_start3A_922, %dma_start3A_923, %dma_start3A_924] : memref<2x1280x32xf32, #tpu.memory_space<vmem>> -> memref<1x1280x32xf32, #tpu.memory_space<vmem>>
    %dma_start3A_926 = tpu.memref_squeeze %dma_start3A_925 : memref<1x1280x32xf32, #tpu.memory_space<vmem>> -> memref<1280x32xf32, #tpu.memory_space<vmem>>
    %dma_start3A_927 = arith.constant 0 : i32
    %dma_start3A_928 = tpu.memref_slice %arg4[%add3A_921, %dma_start3A_927] : memref<819200x32xf32, #tpu.memory_space<hbm>> -> memref<1280x32xf32, #tpu.memory_space<hbm>>
    %dma_start3A_929 = arith.constant 0 : i32
    %dma_start3A_930 = tpu.memref_slice %arg4[%add3A_921, %dma_start3A_929] : memref<819200x32xf32, #tpu.memory_space<hbm>> -> memref<1280x32xf32, #tpu.memory_space<hbm>>
    %dma_start3A_931 = arith.constant 0 : i32
    %dma_start3A_932 = arith.constant 0 : i32
    %dma_start3A_933 = tpu.memref_slice %arg6[%dma_start3A_922, %dma_start3A_931, %dma_start3A_932] : memref<2x1280x32xf32, #tpu.memory_space<vmem>> -> memref<1x1280x32xf32, #tpu.memory_space<vmem>>
    %dma_start3A_934 = tpu.memref_squeeze %dma_start3A_933 : memref<1x1280x32xf32, #tpu.memory_space<vmem>> -> memref<1280x32xf32, #tpu.memory_space<vmem>>
    tpu.enqueue_dma source(%dma_start3A_934 : memref<1280x32xf32, #tpu.memory_space<vmem>>) target(%dma_start3A_930 : memref<1280x32xf32, #tpu.memory_space<hbm>>) target_semaphore(%arg10 : memref<!tpu.dma_semaphore, #tpu.memory_space<semaphore_mem>>)
    %dma_wait3A_935 = arith.constant 0 : i32
    %dma_wait3A_936 = arith.constant 0 : i32
    %dma_wait3A_937 = arith.constant 0 : i32
    %dma_wait3A_938 = tpu.memref_slice %arg6[%dma_wait3A_935, %dma_wait3A_936, %dma_wait3A_937] : memref<2x1280x32xf32, #tpu.memory_space<vmem>> -> memref<1x1280x32xf32, #tpu.memory_space<vmem>>
    %dma_wait3A_939 = tpu.memref_squeeze %dma_wait3A_938 : memref<1x1280x32xf32, #tpu.memory_space<vmem>> -> memref<1280x32xf32, #tpu.memory_space<vmem>>
    %dma_wait3A_940 = arith.constant 0 : i32
    %dma_wait3A_941 = tpu.memref_slice %arg4[%add3A_896, %dma_wait3A_940] : memref<819200x32xf32, #tpu.memory_space<hbm>> -> memref<1280x32xf32, #tpu.memory_space<hbm>>
    %dma_wait3A_942 = arith.constant 0 : i32
    %dma_wait3A_943 = tpu.memref_slice %arg4[%add3A_896, %dma_wait3A_942] : memref<819200x32xf32, #tpu.memory_space<hbm>> -> memref<1280x32xf32, #tpu.memory_space<hbm>>
    %dma_wait3A_944 = arith.constant 0 : i32
    %dma_wait3A_945 = arith.constant 0 : i32
    %dma_wait3A_946 = tpu.memref_slice %arg6[%dma_wait3A_935, %dma_wait3A_944, %dma_wait3A_945] : memref<2x1280x32xf32, #tpu.memory_space<vmem>> -> memref<1x1280x32xf32, #tpu.memory_space<vmem>>
    %dma_wait3A_947 = tpu.memref_squeeze %dma_wait3A_946 : memref<1x1280x32xf32, #tpu.memory_space<vmem>> -> memref<1280x32xf32, #tpu.memory_space<vmem>>
    tpu.wait_dma2 semaphore(%arg9 : memref<!tpu.dma_semaphore, #tpu.memory_space<semaphore_mem>>) src(%dma_wait3A_947 : memref<1280x32xf32, #tpu.memory_space<vmem>>) dst(%dma_wait3A_943 : memref<1280x32xf32, #tpu.memory_space<hbm>>)
    %dma_wait3A_948 = arith.constant 1 : i32
    %dma_wait3A_949 = arith.constant 0 : i32
    %dma_wait3A_950 = arith.constant 0 : i32
    %dma_wait3A_951 = tpu.memref_slice %arg6[%dma_wait3A_948, %dma_wait3A_949, %dma_wait3A_950] : memref<2x1280x32xf32, #tpu.memory_space<vmem>> -> memref<1x1280x32xf32, #tpu.memory_space<vmem>>
    %dma_wait3A_952 = tpu.memref_squeeze %dma_wait3A_951 : memref<1x1280x32xf32, #tpu.memory_space<vmem>> -> memref<1280x32xf32, #tpu.memory_space<vmem>>
    %dma_wait3A_953 = arith.constant 0 : i32
    %dma_wait3A_954 = tpu.memref_slice %arg4[%add3A_921, %dma_wait3A_953] : memref<819200x32xf32, #tpu.memory_space<hbm>> -> memref<1280x32xf32, #tpu.memory_space<hbm>>
    %dma_wait3A_955 = arith.constant 0 : i32
    %dma_wait3A_956 = tpu.memref_slice %arg4[%add3A_921, %dma_wait3A_955] : memref<819200x32xf32, #tpu.memory_space<hbm>> -> memref<1280x32xf32, #tpu.memory_space<hbm>>
    %dma_wait3A_957 = arith.constant 0 : i32
    %dma_wait3A_958 = arith.constant 0 : i32
    %dma_wait3A_959 = tpu.memref_slice %arg6[%dma_wait3A_948, %dma_wait3A_957, %dma_wait3A_958] : memref<2x1280x32xf32, #tpu.memory_space<vmem>> -> memref<1x1280x32xf32, #tpu.memory_space<vmem>>
    %dma_wait3A_960 = tpu.memref_squeeze %dma_wait3A_959 : memref<1x1280x32xf32, #tpu.memory_space<vmem>> -> memref<1280x32xf32, #tpu.memory_space<vmem>>
    tpu.wait_dma2 semaphore(%arg10 : memref<!tpu.dma_semaphore, #tpu.memory_space<semaphore_mem>>) src(%dma_wait3A_960 : memref<1280x32xf32, #tpu.memory_space<vmem>>) dst(%dma_wait3A_956 : memref<1280x32xf32, #tpu.memory_space<hbm>>)
    return
  }
}

</mosaic_0001>

<sc_bundles>
// kernel: _sc_gather.3.cloned.1.call-start
scs
__scs_entry_jumppad:
0x0: {  	(pc) =	sbr.rel $0x88, $3  }
0x1: {  	(tag) =	ssettag $0x0;
	lr =	simm.s32 $0x1  }
0x2: {  	[smem:$0x3F9F] =	sst lr;
	_ =	strace $0xD0000000  }
0x3: {  	_ = 	snop  }
0x4: {  	_ = 	snop  }
0x5: {  	_ = 	snop  }
0x6: {  	_ = 	snop  }
0x7: {  	_ = 	snop  }
__scs_overlays_trampoline_lowered:
0x8: {  	[smem:$0x3FAE] =	sst s0  }
0x9: {  	[smem:$0x3FAF] =	sst s1  }
0xa: {  	[smem:$0x3FB0] =	sst s2  }
0xb: {  	[smem:$0x3FB1] =	sst s3  }
0xc: {  	[smem:$0x3FB2] =	sst s4  }
0xd: {  	[smem:$0x3FB3] =	sst s5  }
0xe: {  	[smem:$0x3FB4] =	sst s6  }
0xf: {  	[smem:$0x3FB5] =	sst s7  }
0x10: {  	[smem:$0x3FB6] =	sst s8  }
0x11: {  	[smem:$0x3FB7] =	sst s9;
	s0 =	simm.s32 @!p0 $0x0  }
0x12: {  	s1 =	sld [smem:$0x3F9D];
	s0 =	simm.s32 @p0 $0x1  }
0x13: {  	[smem:$0x3FB8] =	sst s0;
	s0 =	simm.s32 @!p1 $0x0  }
0x14: {  	s2 =	sld [smem:$0x3F9C];
	s0 =	simm.s32 @p1 $0x1  }
0x15: {  	[smem:$0x3FB9] =	sst s0;
	s0 =	simm.s32 @!p2 $0x0  }
0x16: {  	s3 =	sld [smem:$0x3FDB];
	s0 =	simm.s32 @p2 $0x1  }
0x17: {  	s4 =	simm.s32 $0x1BF5;
	[smem:$0x3FBB] =	sst s0  }
0x18: {  	s0 =	sld [smem:$0x3F9E];
	_ =	swait.ge [sflag:s4], $0x0  }
0x19: {  	s7 =	sld [smem:$0x3F9F]  }
0x1a: {  	s8 =	sadd.s32 $0xFFFFE003, lr  }
0x1b: {  	s9 =	sadd.s32 $0xFFFFFEF7, lr;
	s5 =	simm.s32 $0xFFFFFFFF;
	p2 =	slt.u32 s8, $0xFFFFF086  }
0x1c: {  	p1 =	slt.u32 s9, $0xF7A;
	s5 =	simm.s32 @!p2 $0x0  }
0x1d: {  	s5 =	simm.s32 @p1 $0x1;
	p0 =	seq.s32 s7, s2  }
0x1e: {  	s7 =	smul.u32 @!p0 $0xF7A, s2;
	p2 =	seq.s32 @!p0 s5, $0x0  }
0x1f: {  	s9 =	smul.u32 $0xF7A, s1;
	s8 =	simm.s32 @!p0 $0x1BF5;
	p2 =	por !p2, p0  }
0x20: {  	[sflag:s8] =	ssyncset.s32 @!p0 $0xFFFFF086;
	s6 =	sadd.s32 @!p0 s3, s7;
	s7 =	simm.s32 @!p0 $0x108  }
0x21: {  	s3 =	sadd.s32 s3, s9;
	s6 =	sadd.s32 @!p0 $0x88, s6;
	s7 =	simm.s32 @p2 $0x1082  }
0x22: {  	[simem:s7], [sflag:s8] =	dma.local @!p0 [hbm:s6], $0xF7A  }
0x23: {  	s9 =	sor.u32 $0xD0000000, s2;
	s6 =	simm.s32 $0x108;
	_ =	swait.ge @!p0 [sflag:s8], $0x0  }
0x24: {  	s3 =	sadd.s32 $0x88, s3;
	s6 =	simm.s32 @!p1 $0x1082;
	[sflag:s4] =	ssyncset.s32 $0xFFFFF086  }
0x25: {  	[simem:s6], [sflag:s4] =	dma.local [hbm:s3], $0xF7A  }
0x26: {  	[smem:$0x3F9F] =	sst s1;
	(tag) =	ssettag s2;
	_ =	strace s9  }
0x27: {  	s1 =	sld [smem:$0x3FAF]  }
0x28: {  	s2 =	sld [smem:$0x3FB0]  }
0x29: {  	s4 =	sld [smem:$0x3FB2]  }
0x2a: {  	p0 =	seq.s32 s5, $0x0;
	s5 =	sld [smem:$0x3FB3]  }
0x2b: {  	s6 =	sld [smem:$0x3FB4]  }
0x2c: {  	s7 =	sld [smem:$0x3FB5]  }
0x2d: {  	s3 =	simm.s32 $0x108;
	s8 =	sld [smem:$0x3FB6]  }
0x2e: {  	s3 =	simm.s32 @!p0 $0x1082;
	s9 =	sld [smem:$0x3FB7]  }
0x2f: {  	lr =	sadd.s32 s0, s3;
	s0 =	sld [smem:$0x3FAE]  }
0x30: {  	s3 =	sld [smem:$0x3FB1]  }
0x31: {  	[smem:$0x3FBA] =	sst s10  }
0x32: {  	s10 =	sld [smem:$0x3FB8];
	_ =	sdelay $0x3  }
0x33: {  	p0 =	seq.s32 s10, $0x1;
	s10 =	sld [smem:$0x3FBA];
	_ =	sdelay $0x3  }
0x34: {  	[smem:$0x3FBA] =	sst s10  }
0x35: {  	s10 =	sld [smem:$0x3FB9];
	_ =	sdelay $0x3  }
0x36: {  	p1 =	seq.s32 s10, $0x1;
	s10 =	sld [smem:$0x3FBA];
	_ =	sdelay $0x3  }
0x37: {  	[smem:$0x3FBA] =	sst s10  }
0x38: {  	s10 =	sld [smem:$0x3FBB]  }
0x39: {  	_ = 	snop;
	(pc) =	sbr.ind lr, $3  }
0x3a: {  	_ = 	snop  }
0x3b: {  	_ = 	snop  }
0x3c: {  	p2 =	seq.s32 s10, $0x1;
	s10 =	sld [smem:$0x3FBA]  }
0x3d: {  	_ =	shalt  }
0x3e: {  	_ =	shalt  }
0x3f: {  	_ =	shalt  }
0x40: {  	_ =	shalt  }
0x41: {  	_ =	shalt  }
0x42: {  	_ =	shalt  }
0x43: {  	_ =	shalt  }
0x44: {  	_ =	shalt  }
0x45: {  	_ =	shalt  }
0x46: {  	_ =	shalt  }
0x47: {  	_ =	shalt  }
0x48: {  	_ =	shalt  }
0x49: {  	_ =	shalt  }
0x4a: {  	_ =	shalt  }
0x4b: {  	_ =	shalt  }
0x4c: {  	_ =	shalt  }
0x4d: {  	_ =	shalt  }
0x4e: {  	_ =	shalt  }
0x4f: {  	_ =	shalt  }
0x50: {  	_ =	shalt  }
0x51: {  	_ =	shalt  }
0x52: {  	_ =	shalt  }
0x53: {  	_ =	shalt  }
0x54: {  	_ =	shalt  }
0x55: {  	_ =	shalt  }
0x56: {  	_ =	shalt  }
0x57: {  	_ =	shalt  }
0x58: {  	_ =	shalt  }
0x59: {  	_ =	shalt  }
0x5a: {  	_ =	shalt  }
0x5b: {  	_ =	shalt  }
0x5c: {  	_ =	shalt  }
0x5d: {  	_ =	shalt  }
0x5e: {  	_ =	shalt  }
0x5f: {  	_ =	shalt  }
0x60: {  	_ =	shalt  }
0x61: {  	_ =	shalt  }
0x62: {  	_ =	shalt  }
0x63: {  	_ =	shalt  }
0x64: {  	_ =	shalt  }
0x65: {  	_ =	shalt  }
0x66: {  	_ =	shalt  }
0x67: {  	_ =	shalt  }
0x68: {  	_ =	shalt  }
0x69: {  	_ =	shalt  }
0x6a: {  	_ =	shalt  }
0x6b: {  	_ =	shalt  }
0x6c: {  	_ =	shalt  }
0x6d: {  	_ =	shalt  }
0x6e: {  	_ =	shalt  }
0x6f: {  	_ =	shalt  }
0x70: {  	_ =	shalt  }
0x71: {  	_ =	shalt  }
0x72: {  	_ =	shalt  }
0x73: {  	_ =	shalt  }
0x74: {  	_ =	shalt  }
0x75: {  	_ =	shalt  }
0x76: {  	_ =	shalt  }
0x77: {  	_ =	shalt  }
0x78: {  	_ =	shalt  }
0x79: {  	_ =	shalt  }
0x7a: {  	_ =	shalt  }
0x7b: {  	_ =	shalt  }
0x7c: {  	_ =	shalt  }
0x7d: {  	_ =	shalt  }
0x7e: {  	_ =	shalt  }
0x7f: {  	_ =	shalt  }
0x80: {  	_ =	shalt  }
0x81: {  	_ =	shalt  }
0x82: {  	_ =	shalt  }
0x83: {  	_ =	shalt  }
0x84: {  	_ =	shalt  }
0x85: {  	_ =	shalt  }
0x86: {  	_ =	shalt  }
0x87: {  	_ =	shalt  }
.Lfunc_end0:
.L_simem_size_0:
called_computation.1_lowered:
.L_overlay_start_0:
0x88: {  	s2 =	sld [smem:$0x3FD9]  }
0x89: {  	s3 =	sld [smem:$0x3FFE];
	_ =	sdelay $0x1  }
0x8a: {  	s1 =	srdreg.scid  }
0x8b: {  	s0 =	sand.u32 $0x1, s1  }
0x8c: {  	s17 =	sshll.u32 s0, $0xA;
	s2 =	sadd.s32 s3, s2  }
0x8d: {  	s2 =	sadd.s32 s2, s17  }
0x8e: {  	[smem:$0x3FC6] =	sst s2  }
0x8f: {  	_ = 	snop  }
0x90: {  	s2 =	sld [smem:$0x3FC9]  }
0x91: {  	s18 =	sld [smem:$0x3FD0];
	(tm) =	ssettm $0x1  }
0x92: {  	s4 =	sld [smem:$0x3FFB];
	_ =	sdelay $0x3  }
0x93: {  	_ =	strace s4  }
0x94: {  	s4 =	sld [smem:$0x3FFC];
	_ =	sdelay $0x3  }
0x95: {  	_ =	strace s4  }
0x96: {  	s4 =	sld [smem:$0x3FFD];
	_ =	sdelay $0x3  }
0x97: {  	_ =	strace s4  }
0x98: {  	_ =	strace $0x8FFFFFFF  }
0x99: {  	s19 =	sld [smem:$0x3FDB];
	_ =	sdelay $0x1  }
0x9a: {  	s5 =	simm.s32 $_scs_section_size  }
0x9b: {  	s6 =	simm.s32 $_size__tile_overlayer_lowered;
	s7 =	simm.s32 $_tile_overlayer_lowered  }
0x9c: {  	s22 =	simm.s32 $0x1BFF;
	s21 =	sshll.u32 s7, $0x1;
	s4 =	sadd.s32 s5, s19  }
0x9d: {  	s8 =	simm.s32 $0x0;
	s20 =	sshll.u32 s6, $0x1;
	s6 =	sadd.s32 s21, s4  }
0x9e: {  	[timem:s8], [sflag:s22] =	dma.local [hbm:s6], s20  }
0x9f: {  	_ =	swait.ge [sflag:s22], s20  }
0xa0: {  	s5 =	ssub.s32 $0x0, s20;
	[sflag:s22] =	ssyncset.done $0x0  }
0xa1: {  	[sflag:s22] =	ssyncadd.s32 s5;
	_ =	sdelay $0x1  }
0xa2: {  	s23 =	simm.s32 $0x1B8B  }
0xa3: {  	_ =	swait.ge [sflag:s23], $0x1  }
0xa4: {  	[sflag:s23] =	ssyncset.done $0x0  }
0xa5: {  	s25 =	simm.s32 $0x1B8E;
	s24 =	sld [smem:$0x3FFE];
	[sflag:s23] =	ssyncadd.s32 $0xFFFFFFFF  }
0xa6: {  	s26 =	simm.s32 $execute0_lowered;
	[smem:$0x3FD2] =	sst s25  }
0xa7: {  	s6 =	sshll.u32 s26, $0x1;
	_ =	strace $0x80000046;
	[dreg:$0x1] =	wrdreg $0xFFFFFFFF  }
0xa8: {  	s28 =	simm.s32 $_size_execute0_lowered;
	s4 =	sadd.s32 s4, s6;
	[dreg:$0x0] =	wrdreg $0x0  }
0xa9: {  	s6 =	sshll.u32 s28, $0x1;
	[dreg:$0x2] =	wrdreg s4  }
0xaa: {  	[dreg:$0x3] =	wrdreg s6  }
0xab: {  	[dreg:$0x4] =	wrdreg $0xC0  }
0xac: {  	_ =	task [dreg:s8], $0x5FFFF  }
0xad: {  	[dreg:$0x1] =	wrdreg $0xFFFFFFFF  }
0xae: {  	[dreg:$0x0] =	wrdreg $0x60  }
0xaf: {  	[dreg:$0x2] =	wrdreg s2  }
0xb0: {  	[dreg:$0x3] =	wrdreg s24  }
0xb1: {  	[dreg:$0x4] =	wrdreg s18  }
0xb2: {  	[dreg:$0x5] =	wrdreg $0x9  }
0xb3: {  	_ =	task.clear_ibuf [dreg:s8], $0x6FFFF;
	_ =	strace $0x90000046  }
0xb4: {  	s29 =	simm.s32 $0x9;
	_ =	strace $0x80000048  }
0xb5: {  	_ =	swait.ge [sflag:s29], $0x1  }
0xb6: {  	[sflag:s29] =	ssyncadd.s32 $0xFFFFFFFF  }
0xb7: {  	_ =	strace $0x90000048  }
0xb8: {  	_ =	sfence  }
0xb9: {  	s30 =	sld [smem:$0x0];
	_ =	sdelay $0x2  }
0xba: {  	s31 =	sshll.u32 s1, $0xD;
	s1 =	sshrl.u32 s1, $0x2  }
0xbb: {  	s3 =	sand.u32 $0x4000, s31;
	s1 =	sadd.s32 s1, s30  }
0xbc: {  	s0 =	sor.u32 s3, s0;
	s1 =	sshll.u32 s1, $0x11  }
0xbd: {  	s0 =	sor.u32 s1, s0  }
0xbe: {  	s0 =	sadd.s32 $0x8F2B, s0  }
0xbf: {  	[sflag:s0] =	ssyncadd.remote.s32 $0x1  }
0xc0: {  	_ =	sfence.sel $0xFFFF  }
0xc1: {  	[dreg:$0x0] =	wrdreg $0xFFFFFFFF;
	(pc) =	sbr.abs _section_cstart, $3  }
0xc2: {  	[dreg:$0x1] =	wrdreg $0xFFFFFFFF  }
0xc3: {  	_ =	task.clear_ibuf [dreg:s8], $0x2FFFF;
	_ =	strace $0x9FFFFFFF  }
0xc4: {  	(tm) =	ssettm $0x7FFFFFFF  }
0xc5: {  	_ =	shalt  }
tec
execute0_lowered:
.L_overlay_start_1:
0x0: {  	(tag) =	ssettag $0x1  }
0x1: {  	s0 =	srdreg.scid;
	s2 =	stileid.u32  }
0x2: {  	s1 =	rddreg [dreg:$0x0];
	s0 =	sand.u32 $0x1, s0;
	s2 =	sshll.u32 s2, $0x1  }
0x3: {  	s3 =	rddreg [dreg:$0x1];
	s4 =	sor.u32 s0, s2  }
0x4: {  	s5 =	rddreg [dreg:$0x2];
	s2 =	simm.s32 $0x0;
	s6 =	smul.u32 $0xC80, s4  }
0x5: {  	s0 =	ssub.s32 $0x2, s0;
	s7 =	smul.u32 $0xC8000, s4;
	[smem:$0x7FF] =	sst s2  }
0x6: {  	s4 =	smul.u32 $0x19000, s4;
	s24 =	sshrl.u32 s0, $0x1;
	_ =	strace $0x80000047  }
0x7: {  	s0 =	ssub.s32 s0, s24;
	s1 =	sadd.s32 s1, s6;
	s26 =	sshrl.u32 s7, $0x3  }
0x8: {  	s4 =	sadd.s32 s5, s4;
	s0 =	smax.u32 s0, $0x1;
	[dreg:$0x4] =	wrdreg s1  }
0x9: {  	s7 =	sadd.s32 s5, s26;
	[dreg:$0x5] =	wrdreg s4;
	p1 =	sne.s32 s0, $0x1  }
0xa: {  	s1 =	sadd.s32 $0xFFFFFFFF, s0;
	s8 =	sadd.s32 $0x1400, s7;
	s0 =	rddreg [dreg:$0x4]  }
0xb: {  	s9 =	sadd.s32 $0x2800, s7;
	[dreg:$0x6] =	wrdreg s8  }
0xc: {  	s10 =	sadd.s32 $0x3C00, s7;
	[dreg:$0x7] =	wrdreg s9  }
0xd: {  	s11 =	sadd.s32 $0x5000, s7;
	[dreg:$0x8] =	wrdreg s10  }
0xe: {  	s12 =	sadd.s32 $0x6400, s7;
	[dreg:$0x9] =	wrdreg s11  }
0xf: {  	s13 =	sadd.s32 $0x7800, s7;
	[dreg:$0xa] =	wrdreg s12  }
0x10: {  	s14 =	sadd.s32 $0x8C00, s7;
	[dreg:$0xb] =	wrdreg s13  }
0x11: {  	s15 =	sadd.s32 $0xA000, s7;
	[dreg:$0xc] =	wrdreg s14  }
0x12: {  	s31 =	simm.s32 $0x5;
	s16 =	sadd.s32 $0xB400, s7;
	[dreg:$0xd] =	wrdreg s15  }
0x13: {  	s30 =	simm.s32 $0xA00;
	s17 =	sadd.s32 $0xC800, s7;
	[dreg:$0xe] =	wrdreg s16  }
0x14: {  	s29 =	simm.s32 $0xF00;
	s18 =	sadd.s32 $0xDC00, s7;
	[dreg:$0xf] =	wrdreg s17  }
0x15: {  	s28 =	simm.s32 $0x1400;
	s19 =	sadd.s32 $0xF000, s7;
	[dreg:$0x10] =	wrdreg s18  }
0x16: {  	p0 =	por $0x0, $0x0;
	s20 =	sadd.s32 $0x10400, s7;
	[dreg:$0x11] =	wrdreg s19  }
0x17: {  	s3 =	sadd.s32 $0xF42C00, s3;
	s21 =	sadd.s32 $0x11800, s7;
	[dreg:$0x12] =	wrdreg s20  }
0x18: {  	s24 =	simm.s32 $0x2300;
	s22 =	sadd.s32 $0x12C00, s7;
	[dreg:$0x13] =	wrdreg s21  }
0x19: {  	s6 =	simm.s32 $0x4;
	s23 =	sadd.s32 $0x14000, s7;
	[dreg:$0x14] =	wrdreg s22  }
0x1a: {  	s5 =	simm.s32 $0x3;
	s25 =	sadd.s32 $0x15400, s7;
	[dreg:$0x15] =	wrdreg s23  }
0x1b: {  	s26 =	sadd.s32 $0x16800, s7;
	s4 =	sadd.s32 $0x17C00, s7;
	[dreg:$0x16] =	wrdreg s25  }
0x1c: {  	s7 =	simm.s32 $0x10400;
	[dreg:$0x17] =	wrdreg s26;
	s11 =	simm.s32 $0x500  }
0x1d: {  	s8 =	simm.s32 $0x6400;
	s10 =	simm.s32 $0x1;
	s9 =	simm.s32 $0x2  }
.Ltmp0:
0x1e: {  	s26 =	simm.s32 $0x1900;
	s25 =	simm.s32 $0x1E00;
	(pc) =	sbr.rel @!p1 .LBB2_3-.Ltmp0, $4  }
0x1f: {  	s23 =	simm.s32 $0x2800;
	s22 =	simm.s32 $0x2D00;
	s21 =	simm.s32 $0x3200  }
0x20: {  	s20 =	simm.s32 $0x3700;
	s19 =	simm.s32 $0x3C00;
	s18 =	simm.s32 $0x4100  }
0x21: {  	s17 =	simm.s32 $0x4600;
	s16 =	simm.s32 $0x4B00;
	s15 =	simm.s32 $0x5000  }
0x22: {  	s14 =	simm.s32 $0x5500;
	s13 =	simm.s32 $0x5A00;
	s12 =	simm.s32 $0x5F00  }
0x23: {  	[tilespmem:s2], [sflag:$0x5] =	stream.linear.gather [hbm4b:s0+s2], $0x6400, $0x38;
	[tilespmem:$0x1A400] =	vst v63  }
0x24: {  	_ =	swait.ge [sflag:s31], $0x6400  }
0x25: {  	[sflag:s31] =	ssyncset.done $0x0  }
0x26: {  	[sflag:s31] =	ssyncadd.s32 $0xFFFF9C00  }
0x27: {  	[tilespmem:s8], [sflag:$0x1] =	stream.indirect.gather [hbm4b:s3+s11], $0x20, s2, s11, $0xb8;
	[tilespmem:$0x1A400] =	vst v63  }
0x28: {  	_ = 	snop  }
0x29: {  	[tilespmem:s7], [sflag:$0x2] =	stream.indirect.gather [hbm4b:s3+s11], $0x20, s11, s11, $0xb8;
	[tilespmem:$0x1A400] =	vst v63  }
0x2a: {  	_ =	swait.ge [sflag:s10], $0xA000  }
0x2b: {  	[sflag:s10] =	ssyncset.done $0x0  }
0x2c: {  	s0 =	rddreg [dreg:$0x5];
	[sflag:s10] =	ssyncadd.s32 $0xFFFF6000  }
0x2d: {  	[hbm4b:s0+s2] =	stream.linear.scatter [tilespmem:s8], [sflag:$0x3], $0xA000, $0x38;
	[tilespmem:$0x1A400] =	vst v63  }
0x2e: {  	_ =	swait.ge [sflag:s5], $0xA000  }
0x2f: {  	[sflag:s5] =	ssyncset.done $0x0  }
0x30: {  	[sflag:s5] =	ssyncadd.s32 $0xFFFF6000  }
0x31: {  	[tilespmem:s8], [sflag:$0x1] =	stream.indirect.gather [hbm4b:s3+s11], $0x20, s30, s11, $0xb8;
	[tilespmem:$0x1A400] =	vst v63  }
0x32: {  	_ =	swait.ge [sflag:s9], $0xA000  }
0x33: {  	[sflag:s9] =	ssyncset.done $0x0  }
0x34: {  	s0 =	rddreg [dreg:$0x6];
	[sflag:s9] =	ssyncadd.s32 $0xFFFF6000  }
0x35: {  	[hbm4b:s0+s2] =	stream.linear.scatter [tilespmem:s7], [sflag:$0x4], $0xA000, $0x38;
	[tilespmem:$0x1A400] =	vst v63  }
0x36: {  	_ =	swait.ge [sflag:s6], $0xA000  }
0x37: {  	[sflag:s6] =	ssyncset.done $0x0  }
0x38: {  	[sflag:s6] =	ssyncadd.s32 $0xFFFF6000  }
0x39: {  	[tilespmem:s7], [sflag:$0x2] =	stream.indirect.gather [hbm4b:s3+s11], $0x20, s29, s11, $0xb8;
	[tilespmem:$0x1A400] =	vst v63  }
0x3a: {  	_ =	swait.ge [sflag:s10], $0xA000  }
0x3b: {  	[sflag:s10] =	ssyncset.done $0x0  }
0x3c: {  	s0 =	rddreg [dreg:$0x7];
	[sflag:s10] =	ssyncadd.s32 $0xFFFF6000  }
0x3d: {  	[hbm4b:s0+s2] =	stream.linear.scatter [tilespmem:s8], [sflag:$0x3], $0xA000, $0x38;
	[tilespmem:$0x1A400] =	vst v63  }
0x3e: {  	_ =	swait.ge [sflag:s5], $0xA000  }
0x3f: {  	[sflag:s5] =	ssyncset.done $0x0  }
0x40: {  	[sflag:s5] =	ssyncadd.s32 $0xFFFF6000  }
0x41: {  	[tilespmem:s8], [sflag:$0x1] =	stream.indirect.gather [hbm4b:s3+s11], $0x20, s28, s11, $0xb8;
	[tilespmem:$0x1A400] =	vst v63  }
0x42: {  	_ =	swait.ge [sflag:s9], $0xA000  }
0x43: {  	[sflag:s9] =	ssyncset.done $0x0  }
0x44: {  	s0 =	rddreg [dreg:$0x8];
	[sflag:s9] =	ssyncadd.s32 $0xFFFF6000  }
0x45: {  	[hbm4b:s0+s2] =	stream.linear.scatter [tilespmem:s7], [sflag:$0x4], $0xA000, $0x38;
	[tilespmem:$0x1A400] =	vst v63  }
0x46: {  	_ =	swait.ge [sflag:s6], $0xA000  }
0x47: {  	[sflag:s6] =	ssyncset.done $0x0  }
0x48: {  	[sflag:s6] =	ssyncadd.s32 $0xFFFF6000  }
0x49: {  	[tilespmem:s7], [sflag:$0x2] =	stream.indirect.gather [hbm4b:s3+s11], $0x20, s26, s11, $0xb8;
	[tilespmem:$0x1A400] =	vst v63  }
0x4a: {  	_ =	swait.ge [sflag:s10], $0xA000  }
0x4b: {  	[sflag:s10] =	ssyncset.done $0x0  }
0x4c: {  	s0 =	rddreg [dreg:$0x9];
	[sflag:s10] =	ssyncadd.s32 $0xFFFF6000  }
0x4d: {  	[hbm4b:s0+s2] =	stream.linear.scatter [tilespmem:s8], [sflag:$0x3], $0xA000, $0x38;
	[tilespmem:$0x1A400] =	vst v63  }
0x4e: {  	_ =	swait.ge [sflag:s5], $0xA000  }
0x4f: {  	[sflag:s5] =	ssyncset.done $0x0  }
0x50: {  	[sflag:s5] =	ssyncadd.s32 $0xFFFF6000  }
0x51: {  	[tilespmem:s8], [sflag:$0x1] =	stream.indirect.gather [hbm4b:s3+s11], $0x20, s25, s11, $0xb8;
	[tilespmem:$0x1A400] =	vst v63  }
0x52: {  	_ =	swait.ge [sflag:s9], $0xA000  }
0x53: {  	[sflag:s9] =	ssyncset.done $0x0  }
0x54: {  	s0 =	rddreg [dreg:$0xa];
	[sflag:s9] =	ssyncadd.s32 $0xFFFF6000  }
0x55: {  	[hbm4b:s0+s2] =	stream.linear.scatter [tilespmem:s7], [sflag:$0x4], $0xA000, $0x38;
	[tilespmem:$0x1A400] =	vst v63  }
0x56: {  	_ =	swait.ge [sflag:s6], $0xA000  }
0x57: {  	[sflag:s6] =	ssyncset.done $0x0  }
0x58: {  	[sflag:s6] =	ssyncadd.s32 $0xFFFF6000  }
0x59: {  	[tilespmem:s7], [sflag:$0x2] =	stream.indirect.gather [hbm4b:s3+s11], $0x20, s24, s11, $0xb8;
	[tilespmem:$0x1A400] =	vst v63  }
0x5a: {  	_ =	swait.ge [sflag:s10], $0xA000  }
0x5b: {  	[sflag:s10] =	ssyncset.done $0x0  }
0x5c: {  	s0 =	rddreg [dreg:$0xb];
	[sflag:s10] =	ssyncadd.s32 $0xFFFF6000  }
0x5d: {  	[hbm4b:s0+s2] =	stream.linear.scatter [tilespmem:s8], [sflag:$0x3], $0xA000, $0x38;
	[tilespmem:$0x1A400] =	vst v63  }
0x5e: {  	_ =	swait.ge [sflag:s5], $0xA000  }
0x5f: {  	[sflag:s5] =	ssyncset.done $0x0  }
0x60: {  	[sflag:s5] =	ssyncadd.s32 $0xFFFF6000  }
0x61: {  	[tilespmem:s8], [sflag:$0x1] =	stream.indirect.gather [hbm4b:s3+s11], $0x20, s23, s11, $0xb8;
	[tilespmem:$0x1A400] =	vst v63  }
0x62: {  	_ =	swait.ge [sflag:s9], $0xA000  }
0x63: {  	[sflag:s9] =	ssyncset.done $0x0  }
0x64: {  	s0 =	rddreg [dreg:$0xc];
	[sflag:s9] =	ssyncadd.s32 $0xFFFF6000  }
0x65: {  	[hbm4b:s0+s2] =	stream.linear.scatter [tilespmem:s7], [sflag:$0x4], $0xA000, $0x38;
	[tilespmem:$0x1A400] =	vst v63  }
0x66: {  	_ =	swait.ge [sflag:s6], $0xA000  }
0x67: {  	[sflag:s6] =	ssyncset.done $0x0  }
0x68: {  	[sflag:s6] =	ssyncadd.s32 $0xFFFF6000  }
0x69: {  	[tilespmem:s7], [sflag:$0x2] =	stream.indirect.gather [hbm4b:s3+s11], $0x20, s22, s11, $0xb8;
	[tilespmem:$0x1A400] =	vst v63  }
0x6a: {  	_ =	swait.ge [sflag:s10], $0xA000  }
0x6b: {  	[sflag:s10] =	ssyncset.done $0x0  }
0x6c: {  	s0 =	rddreg [dreg:$0xd];
	[sflag:s10] =	ssyncadd.s32 $0xFFFF6000  }
0x6d: {  	[hbm4b:s0+s2] =	stream.linear.scatter [tilespmem:s8], [sflag:$0x3], $0xA000, $0x38;
	[tilespmem:$0x1A400] =	vst v63  }
0x6e: {  	_ =	swait.ge [sflag:s5], $0xA000  }
0x6f: {  	[sflag:s5] =	ssyncset.done $0x0  }
0x70: {  	[sflag:s5] =	ssyncadd.s32 $0xFFFF6000  }
0x71: {  	[tilespmem:s8], [sflag:$0x1] =	stream.indirect.gather [hbm4b:s3+s11], $0x20, s21, s11, $0xb8;
	[tilespmem:$0x1A400] =	vst v63  }
0x72: {  	_ =	swait.ge [sflag:s9], $0xA000  }
0x73: {  	[sflag:s9] =	ssyncset.done $0x0  }
0x74: {  	s0 =	rddreg [dreg:$0xe];
	[sflag:s9] =	ssyncadd.s32 $0xFFFF6000  }
0x75: {  	[hbm4b:s0+s2] =	stream.linear.scatter [tilespmem:s7], [sflag:$0x4], $0xA000, $0x38;
	[tilespmem:$0x1A400] =	vst v63  }
0x76: {  	_ =	swait.ge [sflag:s6], $0xA000  }
0x77: {  	[sflag:s6] =	ssyncset.done $0x0  }
0x78: {  	[sflag:s6] =	ssyncadd.s32 $0xFFFF6000  }
0x79: {  	[tilespmem:s7], [sflag:$0x2] =	stream.indirect.gather [hbm4b:s3+s11], $0x20, s20, s11, $0xb8;
	[tilespmem:$0x1A400] =	vst v63  }
0x7a: {  	_ =	swait.ge [sflag:s10], $0xA000  }
0x7b: {  	[sflag:s10] =	ssyncset.done $0x0  }
0x7c: {  	s0 =	rddreg [dreg:$0xf];
	[sflag:s10] =	ssyncadd.s32 $0xFFFF6000  }
0x7d: {  	[hbm4b:s0+s2] =	stream.linear.scatter [tilespmem:s8], [sflag:$0x3], $0xA000, $0x38;
	[tilespmem:$0x1A400] =	vst v63  }
0x7e: {  	_ =	swait.ge [sflag:s5], $0xA000  }
0x7f: {  	[sflag:s5] =	ssyncset.done $0x0  }
0x80: {  	[sflag:s5] =	ssyncadd.s32 $0xFFFF6000  }
0x81: {  	[tilespmem:s8], [sflag:$0x1] =	stream.indirect.gather [hbm4b:s3+s11], $0x20, s19, s11, $0xb8;
	[tilespmem:$0x1A400] =	vst v63  }
0x82: {  	_ =	swait.ge [sflag:s9], $0xA000  }
0x83: {  	[sflag:s9] =	ssyncset.done $0x0  }
0x84: {  	s0 =	rddreg [dreg:$0x10];
	[sflag:s9] =	ssyncadd.s32 $0xFFFF6000  }
0x85: {  	[hbm4b:s0+s2] =	stream.linear.scatter [tilespmem:s7], [sflag:$0x4], $0xA000, $0x38;
	[tilespmem:$0x1A400] =	vst v63  }
0x86: {  	_ =	swait.ge [sflag:s6], $0xA000  }
0x87: {  	[sflag:s6] =	ssyncset.done $0x0  }
0x88: {  	[sflag:s6] =	ssyncadd.s32 $0xFFFF6000  }
0x89: {  	[tilespmem:s7], [sflag:$0x2] =	stream.indirect.gather [hbm4b:s3+s11], $0x20, s18, s11, $0xb8;
	[tilespmem:$0x1A400] =	vst v63  }
0x8a: {  	_ =	swait.ge [sflag:s10], $0xA000  }
0x8b: {  	[sflag:s10] =	ssyncset.done $0x0  }
0x8c: {  	s0 =	rddreg [dreg:$0x11];
	[sflag:s10] =	ssyncadd.s32 $0xFFFF6000  }
0x8d: {  	[hbm4b:s0+s2] =	stream.linear.scatter [tilespmem:s8], [sflag:$0x3], $0xA000, $0x38;
	[tilespmem:$0x1A400] =	vst v63  }
0x8e: {  	_ =	swait.ge [sflag:s5], $0xA000  }
0x8f: {  	[sflag:s5] =	ssyncset.done $0x0  }
0x90: {  	[sflag:s5] =	ssyncadd.s32 $0xFFFF6000  }
0x91: {  	[tilespmem:s8], [sflag:$0x1] =	stream.indirect.gather [hbm4b:s3+s11], $0x20, s17, s11, $0xb8;
	[tilespmem:$0x1A400] =	vst v63  }
0x92: {  	_ =	swait.ge [sflag:s9], $0xA000  }
0x93: {  	[sflag:s9] =	ssyncset.done $0x0  }
0x94: {  	s0 =	rddreg [dreg:$0x12];
	[sflag:s9] =	ssyncadd.s32 $0xFFFF6000  }
0x95: {  	[hbm4b:s0+s2] =	stream.linear.scatter [tilespmem:s7], [sflag:$0x4], $0xA000, $0x38;
	[tilespmem:$0x1A400] =	vst v63  }
0x96: {  	_ =	swait.ge [sflag:s6], $0xA000  }
0x97: {  	[sflag:s6] =	ssyncset.done $0x0  }
0x98: {  	[sflag:s6] =	ssyncadd.s32 $0xFFFF6000  }
0x99: {  	[tilespmem:s7], [sflag:$0x2] =	stream.indirect.gather [hbm4b:s3+s11], $0x20, s16, s11, $0xb8;
	[tilespmem:$0x1A400] =	vst v63  }
0x9a: {  	_ =	swait.ge [sflag:s10], $0xA000  }
0x9b: {  	[sflag:s10] =	ssyncset.done $0x0  }
0x9c: {  	s0 =	rddreg [dreg:$0x13];
	[sflag:s10] =	ssyncadd.s32 $0xFFFF6000  }
0x9d: {  	[hbm4b:s0+s2] =	stream.linear.scatter [tilespmem:s8], [sflag:$0x3], $0xA000, $0x38;
	[tilespmem:$0x1A400] =	vst v63  }
0x9e: {  	_ =	swait.ge [sflag:s5], $0xA000  }
0x9f: {  	[sflag:s5] =	ssyncset.done $0x0  }
0xa0: {  	[sflag:s5] =	ssyncadd.s32 $0xFFFF6000  }
0xa1: {  	[tilespmem:s8], [sflag:$0x1] =	stream.indirect.gather [hbm4b:s3+s11], $0x20, s15, s11, $0xb8;
	[tilespmem:$0x1A400] =	vst v63  }
0xa2: {  	_ =	swait.ge [sflag:s9], $0xA000  }
0xa3: {  	[sflag:s9] =	ssyncset.done $0x0  }
0xa4: {  	s0 =	rddreg [dreg:$0x14];
	[sflag:s9] =	ssyncadd.s32 $0xFFFF6000  }
0xa5: {  	[hbm4b:s0+s2] =	stream.linear.scatter [tilespmem:s7], [sflag:$0x4], $0xA000, $0x38;
	[tilespmem:$0x1A400] =	vst v63  }
0xa6: {  	_ =	swait.ge [sflag:s6], $0xA000  }
0xa7: {  	[sflag:s6] =	ssyncset.done $0x0  }
0xa8: {  	[sflag:s6] =	ssyncadd.s32 $0xFFFF6000  }
0xa9: {  	[tilespmem:s7], [sflag:$0x2] =	stream.indirect.gather [hbm4b:s3+s11], $0x20, s14, s11, $0xb8;
	[tilespmem:$0x1A400] =	vst v63  }
0xaa: {  	_ =	swait.ge [sflag:s10], $0xA000  }
0xab: {  	[sflag:s10] =	ssyncset.done $0x0  }
0xac: {  	s0 =	rddreg [dreg:$0x15];
	[sflag:s10] =	ssyncadd.s32 $0xFFFF6000  }
0xad: {  	[hbm4b:s0+s2] =	stream.linear.scatter [tilespmem:s8], [sflag:$0x3], $0xA000, $0x38;
	[tilespmem:$0x1A400] =	vst v63  }
0xae: {  	_ =	swait.ge [sflag:s5], $0xA000  }
0xaf: {  	[sflag:s5] =	ssyncset.done $0x0  }
0xb0: {  	[sflag:s5] =	ssyncadd.s32 $0xFFFF6000  }
0xb1: {  	[tilespmem:s8], [sflag:$0x1] =	stream.indirect.gather [hbm4b:s3+s11], $0x20, s13, s11, $0xb8;
	[tilespmem:$0x1A400] =	vst v63  }
0xb2: {  	_ =	swait.ge [sflag:s9], $0xA000  }
0xb3: {  	[sflag:s9] =	ssyncset.done $0x0  }
0xb4: {  	s0 =	rddreg [dreg:$0x16];
	[sflag:s9] =	ssyncadd.s32 $0xFFFF6000  }
0xb5: {  	[hbm4b:s0+s2] =	stream.linear.scatter [tilespmem:s7], [sflag:$0x4], $0xA000, $0x38;
	[tilespmem:$0x1A400] =	vst v63  }
0xb6: {  	_ =	swait.ge [sflag:s6], $0xA000  }
0xb7: {  	[sflag:s6] =	ssyncset.done $0x0  }
0xb8: {  	[sflag:s6] =	ssyncadd.s32 $0xFFFF6000  }
0xb9: {  	[tilespmem:s7], [sflag:$0x2] =	stream.indirect.gather [hbm4b:s3+s11], $0x20, s12, s11, $0xb8;
	[tilespmem:$0x1A400] =	vst v63  }
0xba: {  	_ =	swait.ge [sflag:s10], $0xA000  }
0xbb: {  	[sflag:s10] =	ssyncset.done $0x0  }
0xbc: {  	s0 =	rddreg [dreg:$0x17];
	[sflag:s10] =	ssyncadd.s32 $0xFFFF6000  }
0xbd: {  	[hbm4b:s0+s2] =	stream.linear.scatter [tilespmem:s8], [sflag:$0x3], $0xA000, $0x38;
	[tilespmem:$0x1A400] =	vst v63  }
0xbe: {  	_ =	swait.ge [sflag:s9], $0xA000  }
0xbf: {  	[sflag:s9] =	ssyncset.done $0x0  }
0xc0: {  	p1 =	sne.s32 s1, $0x1;
	[sflag:s9] =	ssyncadd.s32 $0xFFFF6000  }
0xc1: {  	[hbm4b:s4+s2] =	stream.linear.scatter [tilespmem:s7], [sflag:$0x4], $0xA000, $0x38;
	[tilespmem:$0x1A400] =	vst v63  }
.Ltmp1:
0xc2: {  	_ =	swait.ge [sflag:s5], $0xA000;
	(pc) =	sbr.rel @!p1 .LBB2_3-.Ltmp1, $4  }
0xc3: {  	[sflag:s5] =	ssyncset.done $0x0  }
0xc4: {  	[sflag:s5] =	ssyncadd.s32 $0xFFFF6000  }
0xc5: {  	s1 =	sadd.s32 $0xFFFFFFFF, s1;
	_ =	swait.ge [sflag:s6], $0xA000  }
0xc6: {  	p0 =	por $0x1, $0x1;
	s0 =	rddreg [dreg:$0x4];
	[sflag:s6] =	ssyncset.done $0x0  }
.LBB2_2:
0xc7: {  	[sflag:s6] =	ssyncadd.s32 $0xFFFF6000  }
0xc8: {  	[tilespmem:s2], [sflag:$0x5] =	stream.linear.gather [hbm4b:s0+s2], $0x6400, $0x38;
	[tilespmem:$0x1A400] =	vst v63  }
0xc9: {  	_ =	swait.ge [sflag:s31], $0x6400  }
0xca: {  	[sflag:s31] =	ssyncset.done $0x0  }
0xcb: {  	[sflag:s31] =	ssyncadd.s32 $0xFFFF9C00  }
0xcc: {  	[tilespmem:s8], [sflag:$0x1] =	stream.indirect.gather [hbm4b:s3+s11], $0x20, s2, s11, $0xb8;
	[tilespmem:$0x1A400] =	vst v63  }
0xcd: {  	_ = 	snop  }
0xce: {  	[tilespmem:s7], [sflag:$0x2] =	stream.indirect.gather [hbm4b:s3+s11], $0x20, s11, s11, $0xb8;
	[tilespmem:$0x1A400] =	vst v63  }
0xcf: {  	_ =	swait.ge [sflag:s10], $0xA000  }
0xd0: {  	[sflag:s10] =	ssyncset.done $0x0  }
0xd1: {  	s0 =	rddreg [dreg:$0x5];
	[sflag:s10] =	ssyncadd.s32 $0xFFFF6000  }
0xd2: {  	[hbm4b:s0+s2] =	stream.linear.scatter [tilespmem:s8], [sflag:$0x3], $0xA000, $0x38;
	[tilespmem:$0x1A400] =	vst v63  }
0xd3: {  	_ =	swait.ge [sflag:s5], $0xA000  }
0xd4: {  	[sflag:s5] =	ssyncset.done $0x0  }
0xd5: {  	[sflag:s5] =	ssyncadd.s32 $0xFFFF6000  }
0xd6: {  	[tilespmem:s8], [sflag:$0x1] =	stream.indirect.gather [hbm4b:s3+s11], $0x20, s30, s11, $0xb8;
	[tilespmem:$0x1A400] =	vst v63  }
0xd7: {  	_ =	swait.ge [sflag:s9], $0xA000  }
0xd8: {  	[sflag:s9] =	ssyncset.done $0x0  }
0xd9: {  	s0 =	rddreg [dreg:$0x6];
	[sflag:s9] =	ssyncadd.s32 $0xFFFF6000  }
0xda: {  	[hbm4b:s0+s2] =	stream.linear.scatter [tilespmem:s7], [sflag:$0x4], $0xA000, $0x38;
	[tilespmem:$0x1A400] =	vst v63  }
0xdb: {  	_ =	swait.ge [sflag:s6], $0xA000  }
0xdc: {  	[sflag:s6] =	ssyncset.done $0x0  }
0xdd: {  	[sflag:s6] =	ssyncadd.s32 $0xFFFF6000  }
0xde: {  	[tilespmem:s7], [sflag:$0x2] =	stream.indirect.gather [hbm4b:s3+s11], $0x20, s29, s11, $0xb8;
	[tilespmem:$0x1A400] =	vst v63  }
0xdf: {  	_ =	swait.ge [sflag:s10], $0xA000  }
0xe0: {  	[sflag:s10] =	ssyncset.done $0x0  }
0xe1: {  	s0 =	rddreg [dreg:$0x7];
	[sflag:s10] =	ssyncadd.s32 $0xFFFF6000  }
0xe2: {  	[hbm4b:s0+s2] =	stream.linear.scatter [tilespmem:s8], [sflag:$0x3], $0xA000, $0x38;
	[tilespmem:$0x1A400] =	vst v63  }
0xe3: {  	_ =	swait.ge [sflag:s5], $0xA000  }
0xe4: {  	[sflag:s5] =	ssyncset.done $0x0  }
0xe5: {  	[sflag:s5] =	ssyncadd.s32 $0xFFFF6000  }
0xe6: {  	[tilespmem:s8], [sflag:$0x1] =	stream.indirect.gather [hbm4b:s3+s11], $0x20, s28, s11, $0xb8;
	[tilespmem:$0x1A400] =	vst v63  }
0xe7: {  	_ =	swait.ge [sflag:s9], $0xA000  }
0xe8: {  	[sflag:s9] =	ssyncset.done $0x0  }
0xe9: {  	s0 =	rddreg [dreg:$0x8];
	[sflag:s9] =	ssyncadd.s32 $0xFFFF6000  }
0xea: {  	[hbm4b:s0+s2] =	stream.linear.scatter [tilespmem:s7], [sflag:$0x4], $0xA000, $0x38;
	[tilespmem:$0x1A400] =	vst v63  }
0xeb: {  	_ =	swait.ge [sflag:s6], $0xA000  }
0xec: {  	[sflag:s6] =	ssyncset.done $0x0  }
0xed: {  	[sflag:s6] =	ssyncadd.s32 $0xFFFF6000  }
0xee: {  	[tilespmem:s7], [sflag:$0x2] =	stream.indirect.gather [hbm4b:s3+s11], $0x20, s26, s11, $0xb8;
	[tilespmem:$0x1A400] =	vst v63  }
0xef: {  	_ =	swait.ge [sflag:s10], $0xA000  }
0xf0: {  	[sflag:s10] =	ssyncset.done $0x0  }
0xf1: {  	s0 =	rddreg [dreg:$0x9];
	[sflag:s10] =	ssyncadd.s32 $0xFFFF6000  }
0xf2: {  	[hbm4b:s0+s2] =	stream.linear.scatter [tilespmem:s8], [sflag:$0x3], $0xA000, $0x38;
	[tilespmem:$0x1A400] =	vst v63  }
0xf3: {  	_ =	swait.ge [sflag:s5], $0xA000  }
0xf4: {  	[sflag:s5] =	ssyncset.done $0x0  }
0xf5: {  	[sflag:s5] =	ssyncadd.s32 $0xFFFF6000  }
0xf6: {  	[tilespmem:s8], [sflag:$0x1] =	stream.indirect.gather [hbm4b:s3+s11], $0x20, s25, s11, $0xb8;
	[tilespmem:$0x1A400] =	vst v63  }
0xf7: {  	_ =	swait.ge [sflag:s9], $0xA000  }
0xf8: {  	[sflag:s9] =	ssyncset.done $0x0  }
0xf9: {  	s0 =	rddreg [dreg:$0xa];
	[sflag:s9] =	ssyncadd.s32 $0xFFFF6000  }
0xfa: {  	[hbm4b:s0+s2] =	stream.linear.scatter [tilespmem:s7], [sflag:$0x4], $0xA000, $0x38;
	[tilespmem:$0x1A400] =	vst v63  }
0xfb: {  	_ =	swait.ge [sflag:s6], $0xA000  }
0xfc: {  	[sflag:s6] =	ssyncset.done $0x0  }
0xfd: {  	[sflag:s6] =	ssyncadd.s32 $0xFFFF6000  }
0xfe: {  	[tilespmem:s7], [sflag:$0x2] =	stream.indirect.gather [hbm4b:s3+s11], $0x20, s24, s11, $0xb8;
	[tilespmem:$0x1A400] =	vst v63  }
0xff: {  	_ =	swait.ge [sflag:s10], $0xA000  }
0x100: {  	[sflag:s10] =	ssyncset.done $0x0  }
0x101: {  	s0 =	rddreg [dreg:$0xb];
	[sflag:s10] =	ssyncadd.s32 $0xFFFF6000  }
0x102: {  	[hbm4b:s0+s2] =	stream.linear.scatter [tilespmem:s8], [sflag:$0x3], $0xA000, $0x38;
	[tilespmem:$0x1A400] =	vst v63  }
0x103: {  	_ =	swait.ge [sflag:s5], $0xA000  }
0x104: {  	[sflag:s5] =	ssyncset.done $0x0  }
0x105: {  	[sflag:s5] =	ssyncadd.s32 $0xFFFF6000  }
0x106: {  	[tilespmem:s8], [sflag:$0x1] =	stream.indirect.gather [hbm4b:s3+s11], $0x20, s23, s11, $0xb8;
	[tilespmem:$0x1A400] =	vst v63  }
0x107: {  	_ =	swait.ge [sflag:s9], $0xA000  }
0x108: {  	[sflag:s9] =	ssyncset.done $0x0  }
0x109: {  	s0 =	rddreg [dreg:$0xc];
	[sflag:s9] =	ssyncadd.s32 $0xFFFF6000  }
0x10a: {  	[hbm4b:s0+s2] =	stream.linear.scatter [tilespmem:s7], [sflag:$0x4], $0xA000, $0x38;
	[tilespmem:$0x1A400] =	vst v63  }
0x10b: {  	_ =	swait.ge [sflag:s6], $0xA000  }
0x10c: {  	[sflag:s6] =	ssyncset.done $0x0  }
0x10d: {  	[sflag:s6] =	ssyncadd.s32 $0xFFFF6000  }
0x10e: {  	[tilespmem:s7], [sflag:$0x2] =	stream.indirect.gather [hbm4b:s3+s11], $0x20, s22, s11, $0xb8;
	[tilespmem:$0x1A400] =	vst v63  }
0x10f: {  	_ =	swait.ge [sflag:s10], $0xA000  }
0x110: {  	[sflag:s10] =	ssyncset.done $0x0  }
0x111: {  	s0 =	rddreg [dreg:$0xd];
	[sflag:s10] =	ssyncadd.s32 $0xFFFF6000  }
0x112: {  	[hbm4b:s0+s2] =	stream.linear.scatter [tilespmem:s8], [sflag:$0x3], $0xA000, $0x38;
	[tilespmem:$0x1A400] =	vst v63  }
0x113: {  	_ =	swait.ge [sflag:s5], $0xA000  }
0x114: {  	[sflag:s5] =	ssyncset.done $0x0  }
0x115: {  	[sflag:s5] =	ssyncadd.s32 $0xFFFF6000  }
0x116: {  	[tilespmem:s8], [sflag:$0x1] =	stream.indirect.gather [hbm4b:s3+s11], $0x20, s21, s11, $0xb8;
	[tilespmem:$0x1A400] =	vst v63  }
0x117: {  	_ =	swait.ge [sflag:s9], $0xA000  }
0x118: {  	[sflag:s9] =	ssyncset.done $0x0  }
0x119: {  	s0 =	rddreg [dreg:$0xe];
	[sflag:s9] =	ssyncadd.s32 $0xFFFF6000  }
0x11a: {  	[hbm4b:s0+s2] =	stream.linear.scatter [tilespmem:s7], [sflag:$0x4], $0xA000, $0x38;
	[tilespmem:$0x1A400] =	vst v63  }
0x11b: {  	_ =	swait.ge [sflag:s6], $0xA000  }
0x11c: {  	[sflag:s6] =	ssyncset.done $0x0  }
0x11d: {  	[sflag:s6] =	ssyncadd.s32 $0xFFFF6000  }
0x11e: {  	[tilespmem:s7], [sflag:$0x2] =	stream.indirect.gather [hbm4b:s3+s11], $0x20, s20, s11, $0xb8;
	[tilespmem:$0x1A400] =	vst v63  }
0x11f: {  	_ =	swait.ge [sflag:s10], $0xA000  }
0x120: {  	[sflag:s10] =	ssyncset.done $0x0  }
0x121: {  	s0 =	rddreg [dreg:$0xf];
	[sflag:s10] =	ssyncadd.s32 $0xFFFF6000  }
0x122: {  	[hbm4b:s0+s2] =	stream.linear.scatter [tilespmem:s8], [sflag:$0x3], $0xA000, $0x38;
	[tilespmem:$0x1A400] =	vst v63  }
0x123: {  	_ =	swait.ge [sflag:s5], $0xA000  }
0x124: {  	[sflag:s5] =	ssyncset.done $0x0  }
0x125: {  	[sflag:s5] =	ssyncadd.s32 $0xFFFF6000  }
0x126: {  	[tilespmem:s8], [sflag:$0x1] =	stream.indirect.gather [hbm4b:s3+s11], $0x20, s19, s11, $0xb8;
	[tilespmem:$0x1A400] =	vst v63  }
0x127: {  	_ =	swait.ge [sflag:s9], $0xA000  }
0x128: {  	[sflag:s9] =	ssyncset.done $0x0  }
0x129: {  	s0 =	rddreg [dreg:$0x10];
	[sflag:s9] =	ssyncadd.s32 $0xFFFF6000  }
0x12a: {  	[hbm4b:s0+s2] =	stream.linear.scatter [tilespmem:s7], [sflag:$0x4], $0xA000, $0x38;
	[tilespmem:$0x1A400] =	vst v63  }
0x12b: {  	_ =	swait.ge [sflag:s6], $0xA000  }
0x12c: {  	[sflag:s6] =	ssyncset.done $0x0  }
0x12d: {  	[sflag:s6] =	ssyncadd.s32 $0xFFFF6000  }
0x12e: {  	[tilespmem:s7], [sflag:$0x2] =	stream.indirect.gather [hbm4b:s3+s11], $0x20, s18, s11, $0xb8;
	[tilespmem:$0x1A400] =	vst v63  }
0x12f: {  	_ =	swait.ge [sflag:s10], $0xA000  }
0x130: {  	[sflag:s10] =	ssyncset.done $0x0  }
0x131: {  	s0 =	rddreg [dreg:$0x11];
	[sflag:s10] =	ssyncadd.s32 $0xFFFF6000  }
0x132: {  	[hbm4b:s0+s2] =	stream.linear.scatter [tilespmem:s8], [sflag:$0x3], $0xA000, $0x38;
	[tilespmem:$0x1A400] =	vst v63  }
0x133: {  	_ =	swait.ge [sflag:s5], $0xA000  }
0x134: {  	[sflag:s5] =	ssyncset.done $0x0  }
0x135: {  	[sflag:s5] =	ssyncadd.s32 $0xFFFF6000  }
0x136: {  	[tilespmem:s8], [sflag:$0x1] =	stream.indirect.gather [hbm4b:s3+s11], $0x20, s17, s11, $0xb8;
	[tilespmem:$0x1A400] =	vst v63  }
0x137: {  	_ =	swait.ge [sflag:s9], $0xA000  }
0x138: {  	[sflag:s9] =	ssyncset.done $0x0  }
0x139: {  	s0 =	rddreg [dreg:$0x12];
	[sflag:s9] =	ssyncadd.s32 $0xFFFF6000  }
0x13a: {  	[hbm4b:s0+s2] =	stream.linear.scatter [tilespmem:s7], [sflag:$0x4], $0xA000, $0x38;
	[tilespmem:$0x1A400] =	vst v63  }
0x13b: {  	_ =	swait.ge [sflag:s6], $0xA000  }
0x13c: {  	[sflag:s6] =	ssyncset.done $0x0  }
0x13d: {  	[sflag:s6] =	ssyncadd.s32 $0xFFFF6000  }
0x13e: {  	[tilespmem:s7], [sflag:$0x2] =	stream.indirect.gather [hbm4b:s3+s11], $0x20, s16, s11, $0xb8;
	[tilespmem:$0x1A400] =	vst v63  }
0x13f: {  	_ =	swait.ge [sflag:s10], $0xA000  }
0x140: {  	[sflag:s10] =	ssyncset.done $0x0  }
0x141: {  	s0 =	rddreg [dreg:$0x13];
	[sflag:s10] =	ssyncadd.s32 $0xFFFF6000  }
0x142: {  	[hbm4b:s0+s2] =	stream.linear.scatter [tilespmem:s8], [sflag:$0x3], $0xA000, $0x38;
	[tilespmem:$0x1A400] =	vst v63  }
0x143: {  	_ =	swait.ge [sflag:s5], $0xA000  }
0x144: {  	[sflag:s5] =	ssyncset.done $0x0  }
0x145: {  	[sflag:s5] =	ssyncadd.s32 $0xFFFF6000  }
0x146: {  	[tilespmem:s8], [sflag:$0x1] =	stream.indirect.gather [hbm4b:s3+s11], $0x20, s15, s11, $0xb8;
	[tilespmem:$0x1A400] =	vst v63  }
0x147: {  	_ =	swait.ge [sflag:s9], $0xA000  }
0x148: {  	[sflag:s9] =	ssyncset.done $0x0  }
0x149: {  	s0 =	rddreg [dreg:$0x14];
	[sflag:s9] =	ssyncadd.s32 $0xFFFF6000  }
0x14a: {  	[hbm4b:s0+s2] =	stream.linear.scatter [tilespmem:s7], [sflag:$0x4], $0xA000, $0x38;
	[tilespmem:$0x1A400] =	vst v63  }
0x14b: {  	_ =	swait.ge [sflag:s6], $0xA000  }
0x14c: {  	[sflag:s6] =	ssyncset.done $0x0  }
0x14d: {  	[sflag:s6] =	ssyncadd.s32 $0xFFFF6000  }
0x14e: {  	[tilespmem:s7], [sflag:$0x2] =	stream.indirect.gather [hbm4b:s3+s11], $0x20, s14, s11, $0xb8;
	[tilespmem:$0x1A400] =	vst v63  }
0x14f: {  	_ =	swait.ge [sflag:s10], $0xA000  }
0x150: {  	[sflag:s10] =	ssyncset.done $0x0  }
0x151: {  	s0 =	rddreg [dreg:$0x15];
	[sflag:s10] =	ssyncadd.s32 $0xFFFF6000  }
0x152: {  	[hbm4b:s0+s2] =	stream.linear.scatter [tilespmem:s8], [sflag:$0x3], $0xA000, $0x38;
	[tilespmem:$0x1A400] =	vst v63  }
0x153: {  	_ =	swait.ge [sflag:s5], $0xA000  }
0x154: {  	[sflag:s5] =	ssyncset.done $0x0  }
0x155: {  	[sflag:s5] =	ssyncadd.s32 $0xFFFF6000  }
0x156: {  	[tilespmem:s8], [sflag:$0x1] =	stream.indirect.gather [hbm4b:s3+s11], $0x20, s13, s11, $0xb8;
	[tilespmem:$0x1A400] =	vst v63  }
0x157: {  	_ =	swait.ge [sflag:s9], $0xA000  }
0x158: {  	[sflag:s9] =	ssyncset.done $0x0  }
0x159: {  	s0 =	rddreg [dreg:$0x16];
	[sflag:s9] =	ssyncadd.s32 $0xFFFF6000  }
0x15a: {  	[hbm4b:s0+s2] =	stream.linear.scatter [tilespmem:s7], [sflag:$0x4], $0xA000, $0x38;
	[tilespmem:$0x1A400] =	vst v63  }
0x15b: {  	_ =	swait.ge [sflag:s6], $0xA000  }
0x15c: {  	[sflag:s6] =	ssyncset.done $0x0  }
0x15d: {  	[sflag:s6] =	ssyncadd.s32 $0xFFFF6000  }
0x15e: {  	[tilespmem:s7], [sflag:$0x2] =	stream.indirect.gather [hbm4b:s3+s11], $0x20, s12, s11, $0xb8;
	[tilespmem:$0x1A400] =	vst v63  }
0x15f: {  	_ =	swait.ge [sflag:s10], $0xA000  }
0x160: {  	[sflag:s10] =	ssyncset.done $0x0  }
0x161: {  	s0 =	rddreg [dreg:$0x17];
	[sflag:s10] =	ssyncadd.s32 $0xFFFF6000  }
0x162: {  	[hbm4b:s0+s2] =	stream.linear.scatter [tilespmem:s8], [sflag:$0x3], $0xA000, $0x38;
	[tilespmem:$0x1A400] =	vst v63  }
0x163: {  	_ =	swait.ge [sflag:s9], $0xA000  }
0x164: {  	[sflag:s9] =	ssyncset.done $0x0  }
0x165: {  	p1 =	sne.s32 s1, $0x1;
	[sflag:s9] =	ssyncadd.s32 $0xFFFF6000  }
0x166: {  	[hbm4b:s4+s2] =	stream.linear.scatter [tilespmem:s7], [sflag:$0x4], $0xA000, $0x38;
	[tilespmem:$0x1A400] =	vst v63  }
.Ltmp2:
0x167: {  	_ =	swait.ge [sflag:s5], $0xA000;
	(pc) =	sbr.rel @p1 .LBB2_2-.Ltmp2, $4  }
0x168: {  	[sflag:s5] =	ssyncset.done $0x0  }
0x169: {  	[sflag:s5] =	ssyncadd.s32 $0xFFFF6000  }
0x16a: {  	_ =	swait.ge [sflag:s6], $0xA000  }
0x16b: {  	s1 =	sadd.s32 $0xFFFFFFFF, s1;
	s0 =	rddreg [dreg:$0x4];
	[sflag:s6] =	ssyncset.done $0x0  }
.LBB2_3:
0x16c: {  	[sflag:s6] =	ssyncadd.s32 @p0 $0xFFFF6000  }
0x16d: {  	[tilespmem:s2], [sflag:$0x5] =	stream.linear.gather [hbm4b:s0+s2], $0x6400, $0x38;
	[tilespmem:$0x1A400] =	vst v63  }
0x16e: {  	_ =	swait.ge [sflag:s31], $0x6400  }
0x16f: {  	[sflag:s31] =	ssyncset.done $0x0  }
0x170: {  	[sflag:s31] =	ssyncadd.s32 $0xFFFF9C00  }
0x171: {  	[tilespmem:s8], [sflag:$0x1] =	stream.indirect.gather [hbm4b:s3+s11], $0x20, s2, s11, $0xb8;
	[tilespmem:$0x1A400] =	vst v63  }
0x172: {  	_ = 	snop  }
0x173: {  	[tilespmem:s7], [sflag:$0x2] =	stream.indirect.gather [hbm4b:s3+s11], $0x20, s11, s11, $0xb8;
	[tilespmem:$0x1A400] =	vst v63  }
0x174: {  	_ =	swait.ge [sflag:s10], $0xA000  }
0x175: {  	[sflag:s10] =	ssyncset.done $0x0  }
0x176: {  	s1 =	rddreg [dreg:$0x5];
	[sflag:s10] =	ssyncadd.s32 $0xFFFF6000  }
0x177: {  	[hbm4b:s1+s2] =	stream.linear.scatter [tilespmem:s8], [sflag:$0x3], $0xA000, $0x38;
	[tilespmem:$0x1A400] =	vst v63  }
0x178: {  	_ =	swait.ge [sflag:s5], $0xA000  }
0x179: {  	[sflag:s5] =	ssyncset.done $0x0  }
0x17a: {  	[sflag:s5] =	ssyncadd.s32 $0xFFFF6000  }
0x17b: {  	[tilespmem:s8], [sflag:$0x1] =	stream.indirect.gather [hbm4b:s3+s11], $0x20, s30, s11, $0xb8;
	[tilespmem:$0x1A400] =	vst v63  }
0x17c: {  	_ =	swait.ge [sflag:s9], $0xA000  }
0x17d: {  	[sflag:s9] =	ssyncset.done $0x0  }
0x17e: {  	s30 =	rddreg [dreg:$0x6];
	[sflag:s9] =	ssyncadd.s32 $0xFFFF6000  }
0x17f: {  	[hbm4b:s30+s2] =	stream.linear.scatter [tilespmem:s7], [sflag:$0x4], $0xA000, $0x38;
	[tilespmem:$0x1A400] =	vst v63  }
0x180: {  	_ =	swait.ge [sflag:s6], $0xA000  }
0x181: {  	[sflag:s6] =	ssyncset.done $0x0  }
0x182: {  	[sflag:s6] =	ssyncadd.s32 $0xFFFF6000  }
0x183: {  	[tilespmem:s7], [sflag:$0x2] =	stream.indirect.gather [hbm4b:s3+s11], $0x20, s29, s11, $0xb8;
	[tilespmem:$0x1A400] =	vst v63  }
0x184: {  	_ =	swait.ge [sflag:s10], $0xA000  }
0x185: {  	[sflag:s10] =	ssyncset.done $0x0  }
0x186: {  	s31 =	rddreg [dreg:$0x7];
	[sflag:s10] =	ssyncadd.s32 $0xFFFF6000  }
0x187: {  	[hbm4b:s31+s2] =	stream.linear.scatter [tilespmem:s8], [sflag:$0x3], $0xA000, $0x38;
	[tilespmem:$0x1A400] =	vst v63  }
0x188: {  	_ =	swait.ge [sflag:s5], $0xA000  }
0x189: {  	[sflag:s5] =	ssyncset.done $0x0  }
0x18a: {  	[sflag:s5] =	ssyncadd.s32 $0xFFFF6000  }
0x18b: {  	[tilespmem:s8], [sflag:$0x1] =	stream.indirect.gather [hbm4b:s3+s11], $0x20, s28, s11, $0xb8;
	[tilespmem:$0x1A400] =	vst v63  }
0x18c: {  	_ =	swait.ge [sflag:s9], $0xA000  }
0x18d: {  	[sflag:s9] =	ssyncset.done $0x0  }
0x18e: {  	s1 =	rddreg [dreg:$0x8];
	[sflag:s9] =	ssyncadd.s32 $0xFFFF6000  }
0x18f: {  	[hbm4b:s1+s2] =	stream.linear.scatter [tilespmem:s7], [sflag:$0x4], $0xA000, $0x38;
	[tilespmem:$0x1A400] =	vst v63  }
0x190: {  	_ =	swait.ge [sflag:s6], $0xA000  }
0x191: {  	[sflag:s6] =	ssyncset.done $0x0  }
0x192: {  	[sflag:s6] =	ssyncadd.s32 $0xFFFF6000  }
0x193: {  	[tilespmem:s7], [sflag:$0x2] =	stream.indirect.gather [hbm4b:s3+s11], $0x20, s26, s11, $0xb8;
	[tilespmem:$0x1A400] =	vst v63  }
0x194: {  	_ =	swait.ge [sflag:s10], $0xA000  }
0x195: {  	[sflag:s10] =	ssyncset.done $0x0  }
0x196: {  	s26 =	rddreg [dreg:$0x9];
	[sflag:s10] =	ssyncadd.s32 $0xFFFF6000  }
0x197: {  	[hbm4b:s26+s2] =	stream.linear.scatter [tilespmem:s8], [sflag:$0x3], $0xA000, $0x38;
	[tilespmem:$0x1A400] =	vst v63  }
0x198: {  	_ =	swait.ge [sflag:s5], $0xA000  }
0x199: {  	[sflag:s5] =	ssyncset.done $0x0  }
0x19a: {  	[sflag:s5] =	ssyncadd.s32 $0xFFFF6000  }
0x19b: {  	[tilespmem:s8], [sflag:$0x1] =	stream.indirect.gather [hbm4b:s3+s11], $0x20, s25, s11, $0xb8;
	[tilespmem:$0x1A400] =	vst v63  }
0x19c: {  	_ =	swait.ge [sflag:s9], $0xA000  }
0x19d: {  	[sflag:s9] =	ssyncset.done $0x0  }
0x19e: {  	s28 =	rddreg [dreg:$0xa];
	[sflag:s9] =	ssyncadd.s32 $0xFFFF6000  }
0x19f: {  	[hbm4b:s28+s2] =	stream.linear.scatter [tilespmem:s7], [sflag:$0x4], $0xA000, $0x38;
	[tilespmem:$0x1A400] =	vst v63  }
0x1a0: {  	_ =	swait.ge [sflag:s6], $0xA000  }
0x1a1: {  	[sflag:s6] =	ssyncset.done $0x0  }
0x1a2: {  	[sflag:s6] =	ssyncadd.s32 $0xFFFF6000  }
0x1a3: {  	[tilespmem:s7], [sflag:$0x2] =	stream.indirect.gather [hbm4b:s3+s11], $0x20, s24, s11, $0xb8;
	[tilespmem:$0x1A400] =	vst v63  }
0x1a4: {  	_ =	swait.ge [sflag:s10], $0xA000  }
0x1a5: {  	[sflag:s10] =	ssyncset.done $0x0  }
0x1a6: {  	s29 =	rddreg [dreg:$0xb];
	[sflag:s10] =	ssyncadd.s32 $0xFFFF6000  }
0x1a7: {  	[hbm4b:s29+s2] =	stream.linear.scatter [tilespmem:s8], [sflag:$0x3], $0xA000, $0x38;
	[tilespmem:$0x1A400] =	vst v63  }
0x1a8: {  	_ =	swait.ge [sflag:s5], $0xA000  }
0x1a9: {  	[sflag:s5] =	ssyncset.done $0x0  }
0x1aa: {  	[sflag:s5] =	ssyncadd.s32 $0xFFFF6000  }
0x1ab: {  	[tilespmem:s8], [sflag:$0x1] =	stream.indirect.gather [hbm4b:s3+s11], $0x20, s23, s11, $0xb8;
	[tilespmem:$0x1A400] =	vst v63  }
0x1ac: {  	_ =	swait.ge [sflag:s9], $0xA000  }
0x1ad: {  	[sflag:s9] =	ssyncset.done $0x0  }
0x1ae: {  	s30 =	rddreg [dreg:$0xc];
	[sflag:s9] =	ssyncadd.s32 $0xFFFF6000  }
0x1af: {  	[hbm4b:s30+s2] =	stream.linear.scatter [tilespmem:s7], [sflag:$0x4], $0xA000, $0x38;
	[tilespmem:$0x1A400] =	vst v63  }
0x1b0: {  	_ =	swait.ge [sflag:s6], $0xA000  }
0x1b1: {  	[sflag:s6] =	ssyncset.done $0x0  }
0x1b2: {  	[sflag:s6] =	ssyncadd.s32 $0xFFFF6000  }
0x1b3: {  	[tilespmem:s7], [sflag:$0x2] =	stream.indirect.gather [hbm4b:s3+s11], $0x20, s22, s11, $0xb8;
	[tilespmem:$0x1A400] =	vst v63  }
0x1b4: {  	_ =	swait.ge [sflag:s10], $0xA000  }
0x1b5: {  	[sflag:s10] =	ssyncset.done $0x0  }
0x1b6: {  	s31 =	rddreg [dreg:$0xd];
	[sflag:s10] =	ssyncadd.s32 $0xFFFF6000  }
0x1b7: {  	[hbm4b:s31+s2] =	stream.linear.scatter [tilespmem:s8], [sflag:$0x3], $0xA000, $0x38;
	[tilespmem:$0x1A400] =	vst v63  }
0x1b8: {  	_ =	swait.ge [sflag:s5], $0xA000  }
0x1b9: {  	[sflag:s5] =	ssyncset.done $0x0  }
0x1ba: {  	[sflag:s5] =	ssyncadd.s32 $0xFFFF6000  }
0x1bb: {  	[tilespmem:s8], [sflag:$0x1] =	stream.indirect.gather [hbm4b:s3+s11], $0x20, s21, s11, $0xb8;
	[tilespmem:$0x1A400] =	vst v63  }
0x1bc: {  	_ =	swait.ge [sflag:s9], $0xA000  }
0x1bd: {  	[sflag:s9] =	ssyncset.done $0x0  }
0x1be: {  	s1 =	rddreg [dreg:$0xe];
	[sflag:s9] =	ssyncadd.s32 $0xFFFF6000  }
0x1bf: {  	[hbm4b:s1+s2] =	stream.linear.scatter [tilespmem:s7], [sflag:$0x4], $0xA000, $0x38;
	[tilespmem:$0x1A400] =	vst v63  }
0x1c0: {  	_ =	swait.ge [sflag:s6], $0xA000  }
0x1c1: {  	[sflag:s6] =	ssyncset.done $0x0  }
0x1c2: {  	[sflag:s6] =	ssyncadd.s32 $0xFFFF6000  }
0x1c3: {  	[tilespmem:s7], [sflag:$0x2] =	stream.indirect.gather [hbm4b:s3+s11], $0x20, s20, s11, $0xb8;
	[tilespmem:$0x1A400] =	vst v63  }
0x1c4: {  	_ =	swait.ge [sflag:s10], $0xA000  }
0x1c5: {  	[sflag:s10] =	ssyncset.done $0x0  }
0x1c6: {  	s21 =	rddreg [dreg:$0xf];
	[sflag:s10] =	ssyncadd.s32 $0xFFFF6000  }
0x1c7: {  	[hbm4b:s21+s2] =	stream.linear.scatter [tilespmem:s8], [sflag:$0x3], $0xA000, $0x38;
	[tilespmem:$0x1A400] =	vst v63  }
0x1c8: {  	_ =	swait.ge [sflag:s5], $0xA000  }
0x1c9: {  	[sflag:s5] =	ssyncset.done $0x0  }
0x1ca: {  	[sflag:s5] =	ssyncadd.s32 $0xFFFF6000  }
0x1cb: {  	[tilespmem:s8], [sflag:$0x1] =	stream.indirect.gather [hbm4b:s3+s11], $0x20, s19, s11, $0xb8;
	[tilespmem:$0x1A400] =	vst v63  }
0x1cc: {  	_ =	swait.ge [sflag:s9], $0xA000  }
0x1cd: {  	[sflag:s9] =	ssyncset.done $0x0  }
0x1ce: {  	s22 =	rddreg [dreg:$0x10];
	[sflag:s9] =	ssyncadd.s32 $0xFFFF6000  }
0x1cf: {  	[hbm4b:s22+s2] =	stream.linear.scatter [tilespmem:s7], [sflag:$0x4], $0xA000, $0x38;
	[tilespmem:$0x1A400] =	vst v63  }
0x1d0: {  	_ =	swait.ge [sflag:s6], $0xA000  }
0x1d1: {  	[sflag:s6] =	ssyncset.done $0x0  }
0x1d2: {  	[sflag:s6] =	ssyncadd.s32 $0xFFFF6000  }
0x1d3: {  	[tilespmem:s7], [sflag:$0x2] =	stream.indirect.gather [hbm4b:s3+s11], $0x20, s18, s11, $0xb8;
	[tilespmem:$0x1A400] =	vst v63  }
0x1d4: {  	_ =	swait.ge [sflag:s10], $0xA000  }
0x1d5: {  	[sflag:s10] =	ssyncset.done $0x0  }
0x1d6: {  	s23 =	rddreg [dreg:$0x11];
	[sflag:s10] =	ssyncadd.s32 $0xFFFF6000  }
0x1d7: {  	[hbm4b:s23+s2] =	stream.linear.scatter [tilespmem:s8], [sflag:$0x3], $0xA000, $0x38;
	[tilespmem:$0x1A400] =	vst v63  }
0x1d8: {  	_ =	swait.ge [sflag:s5], $0xA000  }
0x1d9: {  	[sflag:s5] =	ssyncset.done $0x0  }
0x1da: {  	[sflag:s5] =	ssyncadd.s32 $0xFFFF6000  }
0x1db: {  	[tilespmem:s8], [sflag:$0x1] =	stream.indirect.gather [hbm4b:s3+s11], $0x20, s17, s11, $0xb8;
	[tilespmem:$0x1A400] =	vst v63  }
0x1dc: {  	_ =	swait.ge [sflag:s9], $0xA000  }
0x1dd: {  	[sflag:s9] =	ssyncset.done $0x0  }
0x1de: {  	s24 =	rddreg [dreg:$0x12];
	[sflag:s9] =	ssyncadd.s32 $0xFFFF6000  }
0x1df: {  	[hbm4b:s24+s2] =	stream.linear.scatter [tilespmem:s7], [sflag:$0x4], $0xA000, $0x38;
	[tilespmem:$0x1A400] =	vst v63  }
0x1e0: {  	_ =	swait.ge [sflag:s6], $0xA000  }
0x1e1: {  	[sflag:s6] =	ssyncset.done $0x0  }
0x1e2: {  	[sflag:s6] =	ssyncadd.s32 $0xFFFF6000  }
0x1e3: {  	[tilespmem:s7], [sflag:$0x2] =	stream.indirect.gather [hbm4b:s3+s11], $0x20, s16, s11, $0xb8;
	[tilespmem:$0x1A400] =	vst v63  }
0x1e4: {  	_ =	swait.ge [sflag:s10], $0xA000  }
0x1e5: {  	[sflag:s10] =	ssyncset.done $0x0  }
0x1e6: {  	s25 =	rddreg [dreg:$0x13];
	[sflag:s10] =	ssyncadd.s32 $0xFFFF6000  }
0x1e7: {  	[hbm4b:s25+s2] =	stream.linear.scatter [tilespmem:s8], [sflag:$0x3], $0xA000, $0x38;
	[tilespmem:$0x1A400] =	vst v63  }
0x1e8: {  	_ =	swait.ge [sflag:s5], $0xA000  }
0x1e9: {  	[sflag:s5] =	ssyncset.done $0x0  }
0x1ea: {  	[sflag:s5] =	ssyncadd.s32 $0xFFFF6000  }
0x1eb: {  	[tilespmem:s8], [sflag:$0x1] =	stream.indirect.gather [hbm4b:s3+s11], $0x20, s15, s11, $0xb8;
	[tilespmem:$0x1A400] =	vst v63  }
0x1ec: {  	_ =	swait.ge [sflag:s9], $0xA000  }
0x1ed: {  	[sflag:s9] =	ssyncset.done $0x0  }
0x1ee: {  	s26 =	rddreg [dreg:$0x14];
	[sflag:s9] =	ssyncadd.s32 $0xFFFF6000  }
0x1ef: {  	[hbm4b:s26+s2] =	stream.linear.scatter [tilespmem:s7], [sflag:$0x4], $0xA000, $0x38;
	[tilespmem:$0x1A400] =	vst v63  }
0x1f0: {  	_ =	swait.ge [sflag:s6], $0xA000  }
0x1f1: {  	[sflag:s6] =	ssyncset.done $0x0  }
0x1f2: {  	[sflag:s6] =	ssyncadd.s32 $0xFFFF6000  }
0x1f3: {  	[tilespmem:s7], [sflag:$0x2] =	stream.indirect.gather [hbm4b:s3+s11], $0x20, s14, s11, $0xb8;
	[tilespmem:$0x1A400] =	vst v63  }
0x1f4: {  	_ =	swait.ge [sflag:s10], $0xA000  }
0x1f5: {  	[sflag:s10] =	ssyncset.done $0x0  }
0x1f6: {  	s28 =	rddreg [dreg:$0x15];
	[sflag:s10] =	ssyncadd.s32 $0xFFFF6000  }
0x1f7: {  	[hbm4b:s28+s2] =	stream.linear.scatter [tilespmem:s8], [sflag:$0x3], $0xA000, $0x38;
	[tilespmem:$0x1A400] =	vst v63  }
0x1f8: {  	_ =	swait.ge [sflag:s5], $0xA000  }
0x1f9: {  	[sflag:s5] =	ssyncset.done $0x0  }
0x1fa: {  	[sflag:s5] =	ssyncadd.s32 $0xFFFF6000  }
0x1fb: {  	[tilespmem:s8], [sflag:$0x1] =	stream.indirect.gather [hbm4b:s3+s11], $0x20, s13, s11, $0xb8;
	[tilespmem:$0x1A400] =	vst v63  }
0x1fc: {  	_ =	swait.ge [sflag:s9], $0xA000  }
0x1fd: {  	[sflag:s9] =	ssyncset.done $0x0  }
0x1fe: {  	s29 =	rddreg [dreg:$0x16];
	[sflag:s9] =	ssyncadd.s32 $0xFFFF6000  }
0x1ff: {  	[hbm4b:s29+s2] =	stream.linear.scatter [tilespmem:s7], [sflag:$0x4], $0xA000, $0x38;
	[tilespmem:$0x1A400] =	vst v63  }
0x200: {  	_ =	swait.ge [sflag:s6], $0xA000  }
0x201: {  	[sflag:s6] =	ssyncset.done $0x0  }
0x202: {  	[sflag:s6] =	ssyncadd.s32 $0xFFFF6000  }
0x203: {  	[tilespmem:s7], [sflag:$0x2] =	stream.indirect.gather [hbm4b:s3+s11], $0x20, s12, s11, $0xb8;
	[tilespmem:$0x1A400] =	vst v63  }
0x204: {  	_ =	swait.ge [sflag:s10], $0xA000  }
0x205: {  	[sflag:s10] =	ssyncset.done $0x0  }
0x206: {  	s30 =	rddreg [dreg:$0x17];
	[sflag:s10] =	ssyncadd.s32 $0xFFFF6000  }
0x207: {  	[hbm4b:s30+s2] =	stream.linear.scatter [tilespmem:s8], [sflag:$0x3], $0xA000, $0x38;
	[tilespmem:$0x1A400] =	vst v63  }
0x208: {  	_ =	swait.ge [sflag:s9], $0xA000  }
0x209: {  	[sflag:s9] =	ssyncset.done $0x0  }
0x20a: {  	[sflag:s9] =	ssyncadd.s32 $0xFFFF6000  }
0x20b: {  	[hbm4b:s4+s2] =	stream.linear.scatter [tilespmem:s7], [sflag:$0x4], $0xA000, $0x38;
	[tilespmem:$0x1A400] =	vst v63  }
0x20c: {  	_ =	swait.ge [sflag:s5], $0xA000  }
0x20d: {  	[sflag:s5] =	ssyncset.done $0x0  }
0x20e: {  	[sflag:s5] =	ssyncadd.s32 $0xFFFF6000  }
0x20f: {  	_ =	swait.ge [sflag:s6], $0xA000  }
0x210: {  	[sflag:s6] =	ssyncset.done $0x0  }
0x211: {  	[sflag:s6] =	ssyncadd.s32 $0xFFFF6000  }
0x212: {  	_ =	sfence.sel $0x180000  }
0x213: {  	[bflag:$0x0] =	sbarrier.arrive $0xFFFF  }
0x214: {  	_ =	strace $0x90000047  }
0x215: {  	s31 =	stileid.u32;
	[bflag:$0x2] =	sbarrier.arrive $0xFFFF  }
0x216: {  	p0 =	sne.s32 s31, $0x0;
	s0 =	rddreg [dreg:$0x3]  }
0x217: {  	s0 =	sadd.s32 @!p0 $0x100000, s0  }
0x218: {  	[sflag:s0] =	ssyncadd.tile.s32 @!p0 $0x1;
	_ =	shalt  }
.Lfunc_end2:
_tile_overlayer_lowered:
.L_overlay_start_2:
0x219: {  	(tag) =	ssettag $0x2  }
0x21a: {  	s0 =	rddreg [dreg:$0x0];
	s2 =	stileid.u32  }
0x21b: {  	s1 =	rddreg [dreg:$0x1];
	p0 =	sne.s32 s2, $0x0  }
0x21c: {  	s3 =	rddreg [dreg:$0x2];
	[bflag:$0x3] =	sbarrier.arrive $0xFFFF;
	s2 =	simm.s32 @!p0 $0x1C05  }
0x21d: {  	[timem:s3], [sflag:s2] =	dma.local @!p0 [hbm:s0], s1  }
0x21e: {  	s0 =	simm.s32 @!p0 $0x5  }
0x21f: {  	_ =	swait.ge @!p0 [sflag:s0], s1  }
0x220: {  	s1 =	ssub.s32 @!p0 $0x0, s1;
	[sflag:s0] =	ssyncset.done @!p0 $0x0  }
0x221: {  	[sflag:s0] =	ssyncadd.s32 @!p0 s1  }
0x222: {  	[bflag:$0x3] =	sbarrier.arrive $0xFFFF  }
0x223: {  	_ =	shalt  }

// kernel: sparse-core-data-format-call.cloned.1.call-start
scs
called_computation_lowered:
.L_overlay_start_0:
0x0: {  	s2 =	sld [smem:$0x3FD9]  }
0x1: {  	s3 =	sld [smem:$0x3FFE];
	_ =	sdelay $0x1  }
0x2: {  	s1 =	srdreg.scid  }
0x3: {  	s0 =	sand.u32 $0x1, s1  }
0x4: {  	s18 =	sshll.u32 s0, $0xA;
	s2 =	sadd.s32 s3, s2  }
0x5: {  	s2 =	sadd.s32 s2, s18  }
0x6: {  	[smem:$0x3FC6] =	sst s2  }
0x7: {  	_ = 	snop  }
0x8: {  	s2 =	sld [smem:$0x3FD0];
	(tm) =	ssettm $0x1  }
0x9: {  	s19 =	sld [smem:$0x3FFB];
	_ =	sdelay $0x3  }
0xa: {  	_ =	strace s19  }
0xb: {  	s3 =	sld [smem:$0x3FFC];
	_ =	sdelay $0x3  }
0xc: {  	_ =	strace s3  }
0xd: {  	s3 =	sld [smem:$0x3FFD];
	_ =	sdelay $0x3  }
0xe: {  	_ =	strace s3  }
0xf: {  	_ =	strace $0x8FFFFFFF  }
0x10: {  	s20 =	sld [smem:$0x3FDB];
	_ =	sdelay $0x1  }
0x11: {  	s4 =	simm.s32 $_scs_section_size  }
0x12: {  	s5 =	simm.s32 $_size__tile_overlayer_lowered;
	s6 =	simm.s32 $_tile_overlayer_lowered  }
0x13: {  	s23 =	simm.s32 $0x1BFF;
	s22 =	sshll.u32 s6, $0x1;
	s3 =	sadd.s32 s4, s20  }
0x14: {  	s7 =	simm.s32 $0x0;
	s21 =	sshll.u32 s5, $0x1;
	s5 =	sadd.s32 s22, s3  }
0x15: {  	[timem:s7], [sflag:s23] =	dma.local [hbm:s5], s21  }
0x16: {  	_ =	swait.ge [sflag:s23], s21  }
0x17: {  	s4 =	ssub.s32 $0x0, s21;
	[sflag:s23] =	ssyncset.done $0x0  }
0x18: {  	[sflag:s23] =	ssyncadd.s32 s4;
	_ =	sdelay $0x1  }
0x19: {  	s24 =	simm.s32 $0x1B8B  }
0x1a: {  	_ =	swait.ge [sflag:s24], $0x1  }
0x1b: {  	[sflag:s24] =	ssyncset.done $0x0  }
0x1c: {  	s26 =	simm.s32 $0x1B8E;
	s25 =	sld [smem:$0x3FFE];
	[sflag:s24] =	ssyncadd.s32 $0xFFFFFFFF  }
0x1d: {  	s27 =	simm.s32 $execute0_lowered;
	[smem:$0x3FD2] =	sst s26  }
0x1e: {  	s5 =	sshll.u32 s27, $0x1;
	_ =	strace $0x80000049;
	[dreg:$0x1] =	wrdreg $0xFFFFFFFF  }
0x1f: {  	s28 =	simm.s32 $_size_execute0_lowered;
	s3 =	sadd.s32 s3, s5;
	[dreg:$0x0] =	wrdreg $0x0  }
0x20: {  	s5 =	sshll.u32 s28, $0x1;
	[dreg:$0x2] =	wrdreg s3  }
0x21: {  	[dreg:$0x3] =	wrdreg s5  }
0x22: {  	[dreg:$0x4] =	wrdreg $0xC0  }
0x23: {  	_ =	task [dreg:s7], $0x5FFFF  }
0x24: {  	[dreg:$0x1] =	wrdreg $0xFFFFFFFF  }
0x25: {  	[dreg:$0x0] =	wrdreg $0x60  }
0x26: {  	[dreg:$0x2] =	wrdreg s25  }
0x27: {  	[dreg:$0x3] =	wrdreg s2  }
0x28: {  	[dreg:$0x4] =	wrdreg $0x9  }
0x29: {  	_ =	task.clear_ibuf [dreg:s7], $0x5FFFF;
	_ =	strace $0x90000049  }
0x2a: {  	s29 =	simm.s32 $0x9;
	_ =	strace $0x8000004B  }
0x2b: {  	_ =	swait.ge [sflag:s29], $0x1  }
0x2c: {  	[sflag:s29] =	ssyncadd.s32 $0xFFFFFFFF  }
0x2d: {  	_ =	strace $0x9000004B  }
0x2e: {  	_ =	sfence  }
0x2f: {  	s30 =	sld [smem:$0x0];
	_ =	sdelay $0x2  }
0x30: {  	s31 =	sshll.u32 s1, $0xD;
	s1 =	sshrl.u32 s1, $0x2  }
0x31: {  	s3 =	sand.u32 $0x4000, s31;
	s1 =	sadd.s32 s1, s30  }
0x32: {  	s0 =	sor.u32 s3, s0;
	s1 =	sshll.u32 s1, $0x11  }
0x33: {  	s0 =	sor.u32 s1, s0  }
0x34: {  	s0 =	sadd.s32 $0x8F2B, s0  }
0x35: {  	[sflag:s0] =	ssyncadd.remote.s32 $0x1  }
0x36: {  	_ =	sfence.sel $0xFFFF  }
0x37: {  	[dreg:$0x0] =	wrdreg $0xFFFFFFFF;
	(pc) =	sbr.abs _section_cstart, $3  }
0x38: {  	[dreg:$0x1] =	wrdreg $0xFFFFFFFF  }
0x39: {  	_ =	task.clear_ibuf [dreg:s7], $0x2FFFF;
	_ =	strace $0x9FFFFFFF  }
0x3a: {  	(tm) =	ssettm $0x7FFFFFFF  }
0x3b: {  	_ =	shalt  }
tec
execute0_lowered:
.L_overlay_start_1:
0x0: {  	(tag) =	ssettag $0x1  }
0x1: {  	s0 =	srdreg.scid  }
0x2: {  	s1 =	sshll.u32 s0, $0x4  }
0x3: {  	s4 =	rddreg [dreg:$0x0];
	s0 =	stileid.u32;
	s1 =	sand.u32 $0x10, s1  }
0x4: {  	s2 =	rddreg [dreg:$0x1];
	s7 =	simm.s32 $0x1;
	s1 =	sor.u32 s0, s1  }
0x5: {  	s8 =	simm.s32 $0x2;
	s11 =	simm.s32 $0x0;
	s3 =	sshll.u32 s1, $0x7  }
0x6: {  	s10 =	simm.s32 $0x0;
	s4 =	sadd.s32 $0x800, s4;
	s6 =	ssub.s32 $0xC8000, s3  }
.Ltmp0:
0x7: {  	s1 =	rddreg [dreg:$0x2];
	s5 =	sand.u32 $0xF80, s6;
	(pc) =	sbr.rel .LBB1_1-.Ltmp0, $4  }
0x8: {  	_ =	strace $0x8000004A;
	s9 =	smov.u32 s3;
	p0 =	sne.s32 s5, $0x0  }
0x9: {  	s6 =	sshrl.u32 s6, $0xC;
	s5 =	simm.s32 $0x1;
	s7 =	simm.s32 @!p0 $0x0  }
0xa: {  	[sflag:s5] =	ssyncpa.u1 $0x0;
	p0 =	por $0x0, $0x0;
	s6 =	sadd.s32 s7, s6  }
0xb: {  	[sflag:s8] =	ssyncpa.u1 $0x0;
	s8 =	simm.s32 $0x640000;
	s7 =	sadd.s32 $0x1, s6  }
.LBB1_4:
0xc: {  	s14 =	sshll.u32 s11, $0x3  }
0xd: {  	s30 =	sand.u32 $0x7F, s11;
	s15 =	sand.u32 $0xFFFFFC00, s14  }
0xe: {  	s11 =	sor.u32 s30, s15  }
0xf: {  	s15 =	smulhi.u32 $0x51EB851F, s11  }
0x10: {  	s14 =	smulhi.u32 $0x51EB851F, s14  }
0x11: {  	s15 =	sshrl.u32 s15, $0x12  }
0x12: {  	s14 =	sshrl.u32 s14, $0x12;
	s15 =	smul.u32 $0xC8000, s15  }
0x13: {  	s14 =	sand.u32 $0x1F, s14  }
0x14: {  	s14 =	smul.u32 $0x19000, s14;
	s11 =	ssub.s32 s11, s15  }
0x15: {  	s15 =	sand.u32 $0x7, s11  }
0x16: {  	s14 =	sadd.s32 s2, s14;
	s11 =	sshrl.u32 s11, $0x3;
	s15 =	sshll.u32 s15, $0x12  }
0x17: {  	[tilespmem:s13+$0x0 ss:$0x81] =	vst.msk $0xffff, v0;
	s11 =	sadd.s32 s11, s14;
	s31 =	sor.u32 $0x400, s15  }
0x18: {  	[hbm4b:s11+s31] =	stream.strided.scatter [tilespmem:s12], [sflag:$0x2], $0x1000, s8, s31, $0x20;
	[tilespmem:$0x4040] =	vst v63  }
.LBB1_5:
0x19: {  	s13 =	sadd.s32 $0x1000, s9  }
0x1a: {  	p2 =	sgt.s32 s13, $0xC7FFF  }
0x1b: {  	s13 =	smov.u32 @p2 s3;
	p2 =	sne.s32 s10, s7  }
.Ltmp1:
0x1c: {  	p1 =	slt.u32 s10, $0x2;
	(pc) =	sbr.rel @!p2 .LBB1_6-.Ltmp1, $4  }
0x1d: {  	s12 =	simm.s32 @!p1 $0x2  }
0x1e: {  	s14 =	sadd.s32 $0x1, s10;
	_ =	swait.ge @!p1 [sflag:s12], $0x1000  }
0x1f: {  	s11 =	smov.u32 s9;
	p0 =	por !p0, !p0;
	[sflag:s12] =	ssyncset.done @!p1 $0x0  }
0x20: {  	s10 =	smov.u32 s14;
	s9 =	smov.u32 s13;
	[sflag:s12] =	ssyncadd.s32 @!p1 $0xFFFFF000  }
.LBB1_1:
0x21: {  	p1 =	sge.u32 s10, s6  }
0x22: {  	s12 =	sand.u32 @!p1 $0x1FFFFFF, s9  }
0x23: {  	s13 =	smulhi.u32 @!p1 $0x147AE15, s12;
	_ =	sdelay $0x1  }
0x24: {  	s13 =	sshrl.u32 @!p1 s13, $0xC  }
0x25: {  	s13 =	smul.u32 @!p1 $0xC8000, s13;
	_ =	sdelay $0x1  }
0x26: {  	s31 =	sadd.s32 $0xFFFFFFFF, s10;
	s14 =	sxor.u32 @!p1 $0xFFFFFFFF, s10;
	s12 =	ssub.s32 @!p1 s12, s13  }
0x27: {  	s15 =	simm.s32 @!p1 $0x80;
	s14 =	sshll.u32 @!p1 s14, $0xC;
	s12 =	sshll.u32 @!p1 s12, $0x4  }
0x28: {  	s13 =	sand.u32 @!p1 $0x1000, s14;
	s14 =	simm.s32 @!p1 $0x20;
	s12 =	sadd.s32 @!p1 s4, s12  }
0x29: {  	[tilespmem:s13], [sflag:$0x1] =	stream.strided.gather @!p1 [hbm4b:s12+s14], $0x1000, s15, s14, $0x38;
	[tilespmem:$0x4040] =	vst v63  }
0x2a: {  	p1 =	sge.u32 s31, s6  }
.Ltmp2:
0x2b: {  	_ = 	snop;
	(pc) =	sbr.rel @p1 .LBB1_5-.Ltmp2, $1  }
0x2c: {  	_ =	sdelay $0x3  }
0x2d: {  	s12 =	simm.s32 $0x1  }
0x2e: {  	_ =	swait.ge [sflag:s5], $0x1000;
	s12 =	simm.s32 @!p0 $0x0  }
0x2f: {  	[sflag:s5] =	ssyncset.done $0x0;
	s13 =	sshll.u32 s12, $0xC  }
0x30: {  	[sflag:s5] =	ssyncadd.s32 $0xFFFFF000;
	s16 =	sor.u32 $0x10, s13  }
0x31: {  	s12 =	smul.u32 $0x4080, s12;
	v1 =	vld [tilespmem:s16+$0x0]  }
0x32: {  	s30 =	sand.u32 $0x1, s10;
	v0 =	vld [tilespmem:s16+$0xFFFFFFF0]  }
0x33: {  	s13 =	smul.u32 $0x4080, s30;
	s12 =	sshrl.u32 s12, $0x2  }
0x34: {  	s14 =	sor.u32 $0x2000, s12  }
0x35: {  	s31 =	sshrl.u32 s13, $0x2;
	s13 =	sadd.s32 $0x0, s14  }
0x36: {  	s15 =	simm.s32 $0x4;
	s16 =	sadd.s32 $0x20, s16;
	s12 =	sor.u32 $0x2000, s31;
	[tilespmem:s13+$0x810 ss:$0x81] =	vst.msk $0xffff, v1  }
.LBB1_3:
0x37: {  	v1 =	vld [tilespmem:s16+$0x0];
	p1 =	sne.s32 s15, $0x1FC;
	[tilespmem:s13+$0x0 ss:$0x81] =	vst.msk $0xffff, v0;
	s13 =	smov.u32 s15;
	s15 =	sadd.s32 $0x4, s15  }
.Ltmp3:
0x38: {  	v0 =	vld [tilespmem:s16+$0xFFFFFFF0];
	(pc) =	sbr.rel @p1 .LBB1_3-.Ltmp3, $4  }
0x39: {  	_ = 	snop  }
0x3a: {  	s13 =	sshra.s32 s13, $0x2  }
0x3b: {  	s13 =	sadd.s32 s13, s14  }
0x3c: {  	s16 =	sadd.s32 $0x20, s16;
	[tilespmem:s13+$0x810 ss:$0x81] =	vst.msk $0xffff, v1  }
.Ltmp4:
0x3d: {  	_ = 	snop;
	(pc) =	sbr.rel .LBB1_4-.Ltmp4, $1  }
0x3e: {  	_ =	sdelay $0x3  }
.LBB1_6:
0x3f: {  	_ =	sfence.sel $0x180000  }
0x40: {  	s2 =	simm.s32 $0x1;
	[bflag:$0x0] =	sbarrier.arrive $0xFFFF  }
0x41: {  	s31 =	simm.s32 $0x2;
	[sflag:s2] =	ssyncpa.u1 $0x1  }
0x42: {  	[sflag:s31] =	ssyncpa.u1 $0x1  }
0x43: {  	p0 =	sne.s32 s0, $0x0;
	_ =	strace $0x9000004A  }
0x44: {  	s0 =	sadd.s32 @!p0 $0x100000, s1;
	[bflag:$0x2] =	sbarrier.arrive $0xFFFF  }
0x45: {  	[sflag:s0] =	ssyncadd.tile.s32 @!p0 $0x1;
	_ =	shalt  }
.Lfunc_end1:
_tile_overlayer_lowered:
.L_overlay_start_2:
0x46: {  	(tag) =	ssettag $0x2  }
0x47: {  	s0 =	rddreg [dreg:$0x0];
	s2 =	stileid.u32  }
0x48: {  	s1 =	rddreg [dreg:$0x1];
	p0 =	sne.s32 s2, $0x0  }
0x49: {  	s3 =	rddreg [dreg:$0x2];
	[bflag:$0x3] =	sbarrier.arrive $0xFFFF;
	s2 =	simm.s32 @!p0 $0x1C01  }
0x4a: {  	[timem:s3], [sflag:s2] =	dma.local @!p0 [hbm:s0], s1  }
0x4b: {  	s0 =	simm.s32 @!p0 $0x1  }
0x4c: {  	_ =	swait.ge @!p0 [sflag:s0], s1  }
0x4d: {  	s1 =	ssub.s32 @!p0 $0x0, s1;
	[sflag:s0] =	ssyncset.done @!p0 $0x0  }
0x4e: {  	[sflag:s0] =	ssyncadd.s32 @!p0 s1  }
0x4f: {  	[bflag:$0x3] =	sbarrier.arrive $0xFFFF  }
0x50: {  	_ =	shalt  }

</sc_bundles>
